<compile_context>
chip_gen: v7x
topology: tpu7x:2x2x1
jax: 0.10.2.dev20260603
libtpu: 0.0.44.dev20260713+nightly
codegen_flags: <defaults>
</compile_context>

<pallas_src>
import jax
import jax.numpy as jnp
from jax import lax
from jax.experimental import pallas as pl
from jax.experimental.pallas import tpu as pltpu
from jax.experimental.pallas import tpu_sc as plsc

N = 10000
E = 320000
D = 128

NC = 2
NS = 16
NW = NC * NS
EPW = E // NW
CH = 80
NCHUNK = EPW // CH

NPAD = 10240
ROWS_PT = NPAD // NS
ZROWS = 128
DPAD = 10240
DEG_PT = DPAD // NS

BM = 1000

_MESH = plsc.VectorSubcoreMesh(
    core_axis_name="c", subcore_axis_name="s", num_cores=NC, num_subcores=NS
)



def _deg_body(dst_hbm, ones_hbm, zeros_hbm, out_hbm, idx_v, ones_v, hist_s):
    cid = lax.axis_index("c")
    sid = lax.axis_index("s")
    wid = sid * NC + cid

    pltpu.sync_copy(ones_hbm, ones_v)
    pltpu.sync_copy(zeros_hbm, hist_s.at[pl.ds(sid * DEG_PT, DEG_PT)])
    plsc.subcore_barrier()

    ebase = wid * EPW

    def chunk(c, _):
        pltpu.sync_copy(dst_hbm.at[pl.ds(ebase + c * CH, CH)], idx_v)
        pltpu.sync_copy(ones_v, hist_s.at[idx_v], add=True)
        return 0

    lax.fori_loop(0, NCHUNK, chunk, 0)
    plsc.subcore_barrier()

    pltpu.sync_copy(
        hist_s.at[pl.ds(sid * DEG_PT, DEG_PT)],
        out_hbm.at[cid, pl.ds(sid * DEG_PT, DEG_PT)],
    )


def _agg_body(hp_hbm, src_hbm, dst_hbm, out_hbm, src_v, dst_v, rows_v, zb_v, acc_s, sem):
    cid = lax.axis_index("c")
    sid = lax.axis_index("s")
    wid = sid * NC + cid

    zero16 = jnp.zeros((16,), jnp.float32)

    def zero_row(i, _):
        for j in range(D // 16):
            zb_v[i, pl.ds(j * 16, 16)] = zero16
        return 0

    lax.fori_loop(0, ZROWS, zero_row, 0)
    for k in range(ROWS_PT // ZROWS):
        pltpu.sync_copy(
            zb_v, acc_s.at[pl.ds(sid * ROWS_PT + k * ZROWS, ZROWS)]
        )
    plsc.subcore_barrier()

    ebase = wid * EPW

    def chunk(c, _):
        base = ebase + c * CH
        pltpu.sync_copy(src_hbm.at[pl.ds(base, CH)], src_v)
        pltpu.sync_copy(dst_hbm.at[pl.ds(base, CH)], dst_v)
        pltpu.async_copy(hp_hbm.at[src_v], rows_v, sem).wait()
        pltpu.sync_copy(rows_v, acc_s.at[dst_v], add=True)
        return 0

    lax.fori_loop(0, NCHUNK, chunk, 0)
    plsc.subcore_barrier()

    pltpu.sync_copy(
        acc_s.at[pl.ds(sid * ROWS_PT, ROWS_PT)],
        out_hbm.at[cid, pl.ds(sid * ROWS_PT, ROWS_PT)],
    )


_deg_kernel = pl.kernel(
    _deg_body,
    out_type=jax.ShapeDtypeStruct((NC, DPAD, 16), jnp.float32),
    mesh=_MESH,
    scratch_types=[
        pltpu.VMEM((CH,), jnp.int32),
        pltpu.VMEM((CH, 16), jnp.float32),
        pltpu.VMEM_SHARED((DPAD, 16), jnp.float32),
    ],
    compiler_params=pltpu.CompilerParams(use_tc_tiling_on_sc=False),
)

_agg_kernel = pl.kernel(
    _agg_body,
    out_type=jax.ShapeDtypeStruct((NC, NPAD, D), jnp.float32),
    mesh=_MESH,
    scratch_types=[
        pltpu.VMEM((CH,), jnp.int32),
        pltpu.VMEM((CH,), jnp.int32),
        pltpu.VMEM((CH, D), jnp.float32),
        pltpu.VMEM((ZROWS, D), jnp.float32),
        pltpu.VMEM_SHARED((NPAD, D), jnp.float32),
        pltpu.SemaphoreType.DMA,
    ],
)



def _dinv_body(degh_ref, o_ref):
    d = degh_ref[0, 0:N, 0:1] + degh_ref[1, 0:N, 0:1] + 1.0
    o_ref[...] = lax.rsqrt(d)


_dinv = pl.pallas_call(
    _dinv_body,
    out_shape=jax.ShapeDtypeStruct((N, 1), jnp.float32),
)


def _pre_body(x_ref, w_ref, dinv_ref, o_ref):
    h = jnp.dot(x_ref[...], w_ref[...], preferred_element_type=jnp.float32)
    o_ref[...] = h * dinv_ref[...]


_pre = pl.pallas_call(
    _pre_body,
    grid=(N // BM,),
    in_specs=[
        pl.BlockSpec((BM, D), lambda i: (i, 0)),
        pl.BlockSpec((D, D), lambda i: (0, 0)),
        pl.BlockSpec((BM, 1), lambda i: (i, 0)),
    ],
    out_specs=pl.BlockSpec((BM, D), lambda i: (i, 0)),
    out_shape=jax.ShapeDtypeStruct((N, D), jnp.float32),
)


def _layer_body(p_ref, hp_ref, dinv_ref, b_ref, w_ref, o_ref):
    comb = (p_ref[0] + p_ref[1] + hp_ref[...]) * dinv_ref[...] + b_ref[...][None, :]
    a = jnp.maximum(comb, 0.0)
    h = jnp.dot(a, w_ref[...], preferred_element_type=jnp.float32)
    o_ref[...] = h * dinv_ref[...]


_layer = pl.pallas_call(
    _layer_body,
    grid=(N // BM,),
    in_specs=[
        pl.BlockSpec((2, BM, D), lambda i: (0, i, 0)),
        pl.BlockSpec((BM, D), lambda i: (i, 0)),
        pl.BlockSpec((BM, 1), lambda i: (i, 0)),
        pl.BlockSpec((D,), lambda i: (0,)),
        pl.BlockSpec((D, D), lambda i: (0, 0)),
    ],
    out_specs=pl.BlockSpec((BM, D), lambda i: (i, 0)),
    out_shape=jax.ShapeDtypeStruct((N, D), jnp.float32),
)


def _post_body(p_ref, hp_ref, dinv_ref, b_ref, o_ref):
    o_ref[...] = (p_ref[0] + p_ref[1] + hp_ref[...]) * dinv_ref[...] + b_ref[...][None, :]


_post = pl.pallas_call(
    _post_body,
    grid=(N // BM,),
    in_specs=[
        pl.BlockSpec((2, BM, D), lambda i: (0, i, 0)),
        pl.BlockSpec((BM, D), lambda i: (i, 0)),
        pl.BlockSpec((BM, 1), lambda i: (i, 0)),
        pl.BlockSpec((D,), lambda i: (0,)),
    ],
    out_specs=pl.BlockSpec((BM, D), lambda i: (i, 0)),
    out_shape=jax.ShapeDtypeStruct((N, D), jnp.float32),
)



def kernel(x, edge_index, W1, b1, W2, b2, W3, b3):
    src = edge_index[0].astype(jnp.int32)
    dst = edge_index[1].astype(jnp.int32)

    ones16 = jnp.ones((CH, 16), jnp.float32)
    zeros16 = jnp.zeros((DEG_PT, 16), jnp.float32)
    degh = _deg_kernel(dst, ones16, zeros16)
    dinv = _dinv(degh)

    hp1 = _pre(x, W1, dinv)
    p = _agg_kernel(hp1, src, dst)
    hp2 = _layer(p, hp1, dinv, b1, W2)
    p = _agg_kernel(hp2, src, dst)
    hp3 = _layer(p, hp2, dinv, b2, W3)
    p = _agg_kernel(hp3, src, dst)
    return _post(p, hp3, dinv, b3)

# --- scband reference (transcript-rebuilt; emitter-appended) ---
"""Pipeline reference for scband-net-14963666059852 (READ-ONLY COPY).

The authoritative reference and input builder live on the scoring server;
editing this copy changes nothing except your own understanding.
"""

import jax, jax.numpy as jnp
import numpy as np

N_NODES = 10000
N_EDGES = 320000
D_IN = 128
D_HID = 128
D_OUT = 128


def setup_inputs(seed: int = 0) -> dict:
    key = jax.random.key(seed)
    ks = jax.random.split(key, 9)
    x = jax.random.normal(ks[0], (N_NODES, D_IN), dtype=jnp.float32)
    edge_index = jax.random.randint(ks[1], (2, N_EDGES), 0, N_NODES, dtype=jnp.int64)
    s1 = 1.0 / np.sqrt(D_IN)
    s2 = 1.0 / np.sqrt(D_HID)
    W1 = jax.random.uniform(ks[2], (D_IN, D_HID), jnp.float32, -s1, s1)
    b1 = jnp.zeros((D_HID,), jnp.float32)
    W2 = jax.random.uniform(ks[3], (D_HID, D_HID), jnp.float32, -s2, s2)
    b2 = jnp.zeros((D_HID,), jnp.float32)
    W3 = jax.random.uniform(ks[4], (D_HID, D_OUT), jnp.float32, -s2, s2)
    b3 = jnp.zeros((D_OUT,), jnp.float32)
    return {"x": x, "edge_index": edge_index, "W1": W1, "b1": b1, "W2": W2, "b2": b2, "W3": W3, "b3": b3}


def _gcn_conv(x, edge_index, W, b):
    # Faithful GCNConv: add self-loops, symmetric deg^{-1/2} normalization,
    # linear transform, scatter-add aggregation to destination nodes, bias.
    n = x.shape[0]
    loops = jnp.arange(n, dtype=edge_index.dtype)
    src = jnp.concatenate([edge_index[0], loops])
    dst = jnp.concatenate([edge_index[1], loops])
    deg = jnp.zeros((n,), x.dtype).at[dst].add(1.0)
    dinv = jnp.where(deg > 0, 1.0 / jnp.sqrt(deg), 0.0)
    norm = dinv[src] * dinv[dst]
    h = x @ W
    msg = h[src] * norm[:, None]
    out = jax.ops.segment_sum(msg, dst, num_segments=n)
    return out + b


def reference(x, edge_index, W1, b1, W2, b2, W3, b3):
    # Net.encode with index=0 (GCN path), eval mode (dropout = identity).
    h = _gcn_conv(x, edge_index, W1, b1)
    h = jax.nn.relu(h)
    h = _gcn_conv(h, edge_index, W2, b2)
    h = jax.nn.relu(h)
    h = _gcn_conv(h, edge_index, W3, b3)
    return h

if __name__ == "__main__":
    import jax
    _d = setup_inputs()
    print(jax.jit(kernel)(*tuple(_d.values())))

</pallas_src>

<mosaic_0001>
#map = affine_map<(d0, d1) -> (0, 0)>
#map1 = affine_map<(d0, d1) -> (0)>
#map2 = affine_map<(d0, d1) -> (0, 0, 0)>
module attributes {stable_mosaic.version = 14 : i64} {
  func.func @_agg_body(%arg0: i32, %arg1: i32, %arg2: memref<10000x128xf32, #tpu.memory_space<hbm>>, %arg3: memref<320000xi32, #tpu.memory_space<hbm>>, %arg4: memref<320000xi32, #tpu.memory_space<hbm>>, %arg5: memref<2x10240x128xf32, #tpu.memory_space<hbm>>, %arg6: memref<80xi32, #tpu.memory_space<vmem>>, %arg7: memref<80xi32, #tpu.memory_space<vmem>>, %arg8: memref<80x128xf32, #tpu.memory_space<vmem>>, %arg9: memref<128x128xf32, #tpu.memory_space<vmem>>, %arg10: memref<10240x128xf32, #tpu.memory_space<vmem_shared>>, %arg11: memref<!tpu.dma_semaphore, #tpu.memory_space<semaphore_mem>>) attributes {dimension_semantics = [#tpu.dimension_semantics<core_parallel>, #tpu.dimension_semantics<subcore_parallel>], iteration_bounds = array<i64: 2, 16>, scalar_prefetch = 0 : i64, scratch_operands = 6 : i64, tpu.core_type = #tpu.core_type<sc_vector_subcore>, window_params = [{transform_indices = #map}, {transform_indices = #map1}, {transform_indices = #map1}, {transform_indices = #map2}]} {
    %mul3A = arith.constant 2 : i32
    %mul3A_0 = arith.muli %arg1, %mul3A : i32
    %add3A = arith.addi %mul3A_0, %arg0 : i32
    %broadcast_in_dim3A = arith.constant 0.000000e+00 : f32
    %broadcast_in_dim3A_1 = vector.broadcast %broadcast_in_dim3A : f32 to vector<16xf32>
    %scan3A = arith.constant 0 : i32
    %scan3A_2 = arith.constant 0 : i32
    %scan3A_3 = arith.constant 128 : i32
    %scan3A_4 = arith.addi %scan3A_2, %scan3A_3 : i32
    %scan3A_5 = arith.constant 1 : i32
    %scan3A_6 = scf.for %scan3A_42 = %scan3A_2 to %scan3A_4 step %scan3A_5 iter_args(%scan3A_43 = %scan3A) -> (i32)  : i32 {
      %swap3A = arith.index_cast %scan3A_42 : i32 to index
      %swap3A_44 = arith.constant 0 : index
      %swap3A_45 = tpu.vector_load %arg9[%swap3A, %swap3A_44] {strides = array<i32>} : memref<128x128xf32, #tpu.memory_space<vmem>>, vector<1x16xf32>,
      %swap3A_46 = vector.shape_cast %swap3A_45 : vector<1x16xf32> to vector<16xf32>
      %swap3A_47 = vector.shape_cast %broadcast_in_dim3A_1 : vector<16xf32> to vector<1x16xf32>
      tpu.vector_store %arg9[%swap3A, %swap3A_44], %swap3A_47 {strides = array<i32>} : memref<128x128xf32, #tpu.memory_space<vmem>>, vector<1x16xf32>,
      %swap3A_48 = arith.index_cast %scan3A_42 : i32 to index
      %swap3A_49 = arith.constant 16 : index
      %swap3A_50 = tpu.vector_load %arg9[%swap3A_48, %swap3A_49] {strides = array<i32>} : memref<128x128xf32, #tpu.memory_space<vmem>>, vector<1x16xf32>,
      %swap3A_51 = vector.shape_cast %swap3A_50 : vector<1x16xf32> to vector<16xf32>
      %swap3A_52 = vector.shape_cast %broadcast_in_dim3A_1 : vector<16xf32> to vector<1x16xf32>
      tpu.vector_store %arg9[%swap3A_48, %swap3A_49], %swap3A_52 {strides = array<i32>} : memref<128x128xf32, #tpu.memory_space<vmem>>, vector<1x16xf32>,
      %swap3A_53 = arith.index_cast %scan3A_42 : i32 to index
      %swap3A_54 = arith.constant 32 : index
      %swap3A_55 = tpu.vector_load %arg9[%swap3A_53, %swap3A_54] {strides = array<i32>} : memref<128x128xf32, #tpu.memory_space<vmem>>, vector<1x16xf32>,
      %swap3A_56 = vector.shape_cast %swap3A_55 : vector<1x16xf32> to vector<16xf32>
      %swap3A_57 = vector.shape_cast %broadcast_in_dim3A_1 : vector<16xf32> to vector<1x16xf32>
      tpu.vector_store %arg9[%swap3A_53, %swap3A_54], %swap3A_57 {strides = array<i32>} : memref<128x128xf32, #tpu.memory_space<vmem>>, vector<1x16xf32>,
      %swap3A_58 = arith.index_cast %scan3A_42 : i32 to index
      %swap3A_59 = arith.constant 48 : index
      %swap3A_60 = tpu.vector_load %arg9[%swap3A_58, %swap3A_59] {strides = array<i32>} : memref<128x128xf32, #tpu.memory_space<vmem>>, vector<1x16xf32>,
      %swap3A_61 = vector.shape_cast %swap3A_60 : vector<1x16xf32> to vector<16xf32>
      %swap3A_62 = vector.shape_cast %broadcast_in_dim3A_1 : vector<16xf32> to vector<1x16xf32>
      tpu.vector_store %arg9[%swap3A_58, %swap3A_59], %swap3A_62 {strides = array<i32>} : memref<128x128xf32, #tpu.memory_space<vmem>>, vector<1x16xf32>,
      %swap3A_63 = arith.index_cast %scan3A_42 : i32 to index
      %swap3A_64 = arith.constant 64 : index
      %swap3A_65 = tpu.vector_load %arg9[%swap3A_63, %swap3A_64] {strides = array<i32>} : memref<128x128xf32, #tpu.memory_space<vmem>>, vector<1x16xf32>,
      %swap3A_66 = vector.shape_cast %swap3A_65 : vector<1x16xf32> to vector<16xf32>
      %swap3A_67 = vector.shape_cast %broadcast_in_dim3A_1 : vector<16xf32> to vector<1x16xf32>
      tpu.vector_store %arg9[%swap3A_63, %swap3A_64], %swap3A_67 {strides = array<i32>} : memref<128x128xf32, #tpu.memory_space<vmem>>, vector<1x16xf32>,
      %swap3A_68 = arith.index_cast %scan3A_42 : i32 to index
      %swap3A_69 = arith.constant 80 : index
      %swap3A_70 = tpu.vector_load %arg9[%swap3A_68, %swap3A_69] {strides = array<i32>} : memref<128x128xf32, #tpu.memory_space<vmem>>, vector<1x16xf32>,
      %swap3A_71 = vector.shape_cast %swap3A_70 : vector<1x16xf32> to vector<16xf32>
      %swap3A_72 = vector.shape_cast %broadcast_in_dim3A_1 : vector<16xf32> to vector<1x16xf32>
      tpu.vector_store %arg9[%swap3A_68, %swap3A_69], %swap3A_72 {strides = array<i32>} : memref<128x128xf32, #tpu.memory_space<vmem>>, vector<1x16xf32>,
      %swap3A_73 = arith.index_cast %scan3A_42 : i32 to index
      %swap3A_74 = arith.constant 96 : index
      %swap3A_75 = tpu.vector_load %arg9[%swap3A_73, %swap3A_74] {strides = array<i32>} : memref<128x128xf32, #tpu.memory_space<vmem>>, vector<1x16xf32>,
      %swap3A_76 = vector.shape_cast %swap3A_75 : vector<1x16xf32> to vector<16xf32>
      %swap3A_77 = vector.shape_cast %broadcast_in_dim3A_1 : vector<16xf32> to vector<1x16xf32>
      tpu.vector_store %arg9[%swap3A_73, %swap3A_74], %swap3A_77 {strides = array<i32>} : memref<128x128xf32, #tpu.memory_space<vmem>>, vector<1x16xf32>,
      %swap3A_78 = arith.index_cast %scan3A_42 : i32 to index
      %swap3A_79 = arith.constant 112 : index
      %swap3A_80 = tpu.vector_load %arg9[%swap3A_78, %swap3A_79] {strides = array<i32>} : memref<128x128xf32, #tpu.memory_space<vmem>>, vector<1x16xf32>,
      %swap3A_81 = vector.shape_cast %swap3A_80 : vector<1x16xf32> to vector<16xf32>
      %swap3A_82 = vector.shape_cast %broadcast_in_dim3A_1 : vector<16xf32> to vector<1x16xf32>
      tpu.vector_store %arg9[%swap3A_78, %swap3A_79], %swap3A_82 {strides = array<i32>} : memref<128x128xf32, #tpu.memory_space<vmem>>, vector<1x16xf32>,
      %scan3A_83 = arith.constant 0 : i32
      scf.yield %scan3A_83 : i32
    }
    %scan3A_7 = arith.constant 128 : i32
    %mul3A_8 = arith.constant 640 : i32
    %mul3A_9 = arith.muli %arg1, %mul3A_8 : i32
    %add3A_10 = arith.constant 0 : i32
    %add3A_11 = arith.addi %mul3A_9, %add3A_10 : i32
    "tpu.region"() ({
      %run_scoped3A = tpu.sem_alloc : memref<!tpu.dma_semaphore, #tpu.memory_space<semaphore_mem>>
      %dma_start3A = arith.constant 0 : i32
      %dma_start3A_42 = tpu.memref_slice %arg10[%add3A_11, %dma_start3A] : memref<10240x128xf32, #tpu.memory_space<vmem_shared>> -> memref<128x128xf32, #tpu.memory_space<vmem_shared>>
      %dma_start3A_43 = arith.constant 0 : i32
      %dma_start3A_44 = tpu.memref_slice %arg10[%add3A_11, %dma_start3A_43] : memref<10240x128xf32, #tpu.memory_space<vmem_shared>> -> memref<128x128xf32, #tpu.memory_space<vmem_shared>>
      tpu.enqueue_dma source(%arg9 : memref<128x128xf32, #tpu.memory_space<vmem>>) target(%dma_start3A_44 : memref<128x128xf32, #tpu.memory_space<vmem_shared>>) target_semaphore(%run_scoped3A : memref<!tpu.dma_semaphore, #tpu.memory_space<semaphore_mem>>)
      %dma_wait3A = arith.constant 0 : i32
      %dma_wait3A_45 = tpu.memref_slice %arg10[%add3A_11, %dma_wait3A] : memref<10240x128xf32, #tpu.memory_space<vmem_shared>> -> memref<128x128xf32, #tpu.memory_space<vmem_shared>>
      %dma_wait3A_46 = arith.constant 0 : i32
      %dma_wait3A_47 = tpu.memref_slice %arg10[%add3A_11, %dma_wait3A_46] : memref<10240x128xf32, #tpu.memory_space<vmem_shared>> -> memref<128x128xf32, #tpu.memory_space<vmem_shared>>
      tpu.wait_dma2 semaphore(%run_scoped3A : memref<!tpu.dma_semaphore, #tpu.memory_space<semaphore_mem>>) src(%arg9 : memref<128x128xf32, #tpu.memory_space<vmem>>) dst(%dma_wait3A_47 : memref<128x128xf32, #tpu.memory_space<vmem_shared>>)
      tpu.yield
    }) : () -> ()
    %mul3A_12 = arith.constant 640 : i32
    %mul3A_13 = arith.muli %arg1, %mul3A_12 : i32
    %add3A_14 = arith.constant 128 : i32
    %add3A_15 = arith.addi %mul3A_13, %add3A_14 : i32
    "tpu.region"() ({
      %run_scoped3A = tpu.sem_alloc : memref<!tpu.dma_semaphore, #tpu.memory_space<semaphore_mem>>
      %dma_start3A = arith.constant 0 : i32
      %dma_start3A_42 = tpu.memref_slice %arg10[%add3A_15, %dma_start3A] : memref<10240x128xf32, #tpu.memory_space<vmem_shared>> -> memref<128x128xf32, #tpu.memory_space<vmem_shared>>
      %dma_start3A_43 = arith.constant 0 : i32
      %dma_start3A_44 = tpu.memref_slice %arg10[%add3A_15, %dma_start3A_43] : memref<10240x128xf32, #tpu.memory_space<vmem_shared>> -> memref<128x128xf32, #tpu.memory_space<vmem_shared>>
      tpu.enqueue_dma source(%arg9 : memref<128x128xf32, #tpu.memory_space<vmem>>) target(%dma_start3A_44 : memref<128x128xf32, #tpu.memory_space<vmem_shared>>) target_semaphore(%run_scoped3A : memref<!tpu.dma_semaphore, #tpu.memory_space<semaphore_mem>>)
      %dma_wait3A = arith.constant 0 : i32
      %dma_wait3A_45 = tpu.memref_slice %arg10[%add3A_15, %dma_wait3A] : memref<10240x128xf32, #tpu.memory_space<vmem_shared>> -> memref<128x128xf32, #tpu.memory_space<vmem_shared>>
      %dma_wait3A_46 = arith.constant 0 : i32
      %dma_wait3A_47 = tpu.memref_slice %arg10[%add3A_15, %dma_wait3A_46] : memref<10240x128xf32, #tpu.memory_space<vmem_shared>> -> memref<128x128xf32, #tpu.memory_space<vmem_shared>>
      tpu.wait_dma2 semaphore(%run_scoped3A : memref<!tpu.dma_semaphore, #tpu.memory_space<semaphore_mem>>) src(%arg9 : memref<128x128xf32, #tpu.memory_space<vmem>>) dst(%dma_wait3A_47 : memref<128x128xf32, #tpu.memory_space<vmem_shared>>)
      tpu.yield
    }) : () -> ()
    %mul3A_16 = arith.constant 640 : i32
    %mul3A_17 = arith.muli %arg1, %mul3A_16 : i32
    %add3A_18 = arith.constant 256 : i32
    %add3A_19 = arith.addi %mul3A_17, %add3A_18 : i32
    "tpu.region"() ({
      %run_scoped3A = tpu.sem_alloc : memref<!tpu.dma_semaphore, #tpu.memory_space<semaphore_mem>>
      %dma_start3A = arith.constant 0 : i32
      %dma_start3A_42 = tpu.memref_slice %arg10[%add3A_19, %dma_start3A] : memref<10240x128xf32, #tpu.memory_space<vmem_shared>> -> memref<128x128xf32, #tpu.memory_space<vmem_shared>>
      %dma_start3A_43 = arith.constant 0 : i32
      %dma_start3A_44 = tpu.memref_slice %arg10[%add3A_19, %dma_start3A_43] : memref<10240x128xf32, #tpu.memory_space<vmem_shared>> -> memref<128x128xf32, #tpu.memory_space<vmem_shared>>
      tpu.enqueue_dma source(%arg9 : memref<128x128xf32, #tpu.memory_space<vmem>>) target(%dma_start3A_44 : memref<128x128xf32, #tpu.memory_space<vmem_shared>>) target_semaphore(%run_scoped3A : memref<!tpu.dma_semaphore, #tpu.memory_space<semaphore_mem>>)
      %dma_wait3A = arith.constant 0 : i32
      %dma_wait3A_45 = tpu.memref_slice %arg10[%add3A_19, %dma_wait3A] : memref<10240x128xf32, #tpu.memory_space<vmem_shared>> -> memref<128x128xf32, #tpu.memory_space<vmem_shared>>
      %dma_wait3A_46 = arith.constant 0 : i32
      %dma_wait3A_47 = tpu.memref_slice %arg10[%add3A_19, %dma_wait3A_46] : memref<10240x128xf32, #tpu.memory_space<vmem_shared>> -> memref<128x128xf32, #tpu.memory_space<vmem_shared>>
      tpu.wait_dma2 semaphore(%run_scoped3A : memref<!tpu.dma_semaphore, #tpu.memory_space<semaphore_mem>>) src(%arg9 : memref<128x128xf32, #tpu.memory_space<vmem>>) dst(%dma_wait3A_47 : memref<128x128xf32, #tpu.memory_space<vmem_shared>>)
      tpu.yield
    }) : () -> ()
    %mul3A_20 = arith.constant 640 : i32
    %mul3A_21 = arith.muli %arg1, %mul3A_20 : i32
    %add3A_22 = arith.constant 384 : i32
    %add3A_23 = arith.addi %mul3A_21, %add3A_22 : i32
    "tpu.region"() ({
      %run_scoped3A = tpu.sem_alloc : memref<!tpu.dma_semaphore, #tpu.memory_space<semaphore_mem>>
      %dma_start3A = arith.constant 0 : i32
      %dma_start3A_42 = tpu.memref_slice %arg10[%add3A_23, %dma_start3A] : memref<10240x128xf32, #tpu.memory_space<vmem_shared>> -> memref<128x128xf32, #tpu.memory_space<vmem_shared>>
      %dma_start3A_43 = arith.constant 0 : i32
      %dma_start3A_44 = tpu.memref_slice %arg10[%add3A_23, %dma_start3A_43] : memref<10240x128xf32, #tpu.memory_space<vmem_shared>> -> memref<128x128xf32, #tpu.memory_space<vmem_shared>>
      tpu.enqueue_dma source(%arg9 : memref<128x128xf32, #tpu.memory_space<vmem>>) target(%dma_start3A_44 : memref<128x128xf32, #tpu.memory_space<vmem_shared>>) target_semaphore(%run_scoped3A : memref<!tpu.dma_semaphore, #tpu.memory_space<semaphore_mem>>)
      %dma_wait3A = arith.constant 0 : i32
      %dma_wait3A_45 = tpu.memref_slice %arg10[%add3A_23, %dma_wait3A] : memref<10240x128xf32, #tpu.memory_space<vmem_shared>> -> memref<128x128xf32, #tpu.memory_space<vmem_shared>>
      %dma_wait3A_46 = arith.constant 0 : i32
      %dma_wait3A_47 = tpu.memref_slice %arg10[%add3A_23, %dma_wait3A_46] : memref<10240x128xf32, #tpu.memory_space<vmem_shared>> -> memref<128x128xf32, #tpu.memory_space<vmem_shared>>
      tpu.wait_dma2 semaphore(%run_scoped3A : memref<!tpu.dma_semaphore, #tpu.memory_space<semaphore_mem>>) src(%arg9 : memref<128x128xf32, #tpu.memory_space<vmem>>) dst(%dma_wait3A_47 : memref<128x128xf32, #tpu.memory_space<vmem_shared>>)
      tpu.yield
    }) : () -> ()
    %mul3A_24 = arith.constant 640 : i32
    %mul3A_25 = arith.muli %arg1, %mul3A_24 : i32
    %add3A_26 = arith.constant 512 : i32
    %add3A_27 = arith.addi %mul3A_25, %add3A_26 : i32
    "tpu.region"() ({
      %run_scoped3A = tpu.sem_alloc : memref<!tpu.dma_semaphore, #tpu.memory_space<semaphore_mem>>
      %dma_start3A = arith.constant 0 : i32
      %dma_start3A_42 = tpu.memref_slice %arg10[%add3A_27, %dma_start3A] : memref<10240x128xf32, #tpu.memory_space<vmem_shared>> -> memref<128x128xf32, #tpu.memory_space<vmem_shared>>
      %dma_start3A_43 = arith.constant 0 : i32
      %dma_start3A_44 = tpu.memref_slice %arg10[%add3A_27, %dma_start3A_43] : memref<10240x128xf32, #tpu.memory_space<vmem_shared>> -> memref<128x128xf32, #tpu.memory_space<vmem_shared>>
      tpu.enqueue_dma source(%arg9 : memref<128x128xf32, #tpu.memory_space<vmem>>) target(%dma_start3A_44 : memref<128x128xf32, #tpu.memory_space<vmem_shared>>) target_semaphore(%run_scoped3A : memref<!tpu.dma_semaphore, #tpu.memory_space<semaphore_mem>>)
      %dma_wait3A = arith.constant 0 : i32
      %dma_wait3A_45 = tpu.memref_slice %arg10[%add3A_27, %dma_wait3A] : memref<10240x128xf32, #tpu.memory_space<vmem_shared>> -> memref<128x128xf32, #tpu.memory_space<vmem_shared>>
      %dma_wait3A_46 = arith.constant 0 : i32
      %dma_wait3A_47 = tpu.memref_slice %arg10[%add3A_27, %dma_wait3A_46] : memref<10240x128xf32, #tpu.memory_space<vmem_shared>> -> memref<128x128xf32, #tpu.memory_space<vmem_shared>>
      tpu.wait_dma2 semaphore(%run_scoped3A : memref<!tpu.dma_semaphore, #tpu.memory_space<semaphore_mem>>) src(%arg9 : memref<128x128xf32, #tpu.memory_space<vmem>>) dst(%dma_wait3A_47 : memref<128x128xf32, #tpu.memory_space<vmem_shared>>)
      tpu.yield
    }) : () -> ()
    %barrier3A = arith.constant 0 : index
    tpu.barrier barrier_id(%barrier3A)
    %mul3A_28 = arith.constant 10000 : i32
    %mul3A_29 = arith.muli %add3A, %mul3A_28 : i32
    %scan3A_30 = arith.constant 0 : i32
    %scan3A_31 = arith.constant 0 : i32
    %scan3A_32 = arith.constant 125 : i32
    %scan3A_33 = arith.addi %scan3A_31, %scan3A_32 : i32
    %scan3A_34 = arith.constant 1 : i32
    %scan3A_35 = scf.for %scan3A_42 = %scan3A_31 to %scan3A_33 step %scan3A_34 iter_args(%scan3A_43 = %scan3A_30) -> (i32)  : i32 {
      %mul3A_44 = arith.constant 80 : i32
      %mul3A_45 = arith.muli %scan3A_42, %mul3A_44 : i32
      %add3A_46 = arith.addi %mul3A_29, %mul3A_45 : i32
      "tpu.region"() ({
        %run_scoped3A = tpu.sem_alloc : memref<!tpu.dma_semaphore, #tpu.memory_space<semaphore_mem>>
        %dma_start3A_52 = tpu.memref_slice %arg3[%add3A_46] : memref<320000xi32, #tpu.memory_space<hbm>> -> memref<80xi32, #tpu.memory_space<hbm>>
        %dma_start3A_53 = tpu.memref_slice %arg3[%add3A_46] : memref<320000xi32, #tpu.memory_space<hbm>> -> memref<80xi32, #tpu.memory_space<hbm>>
        tpu.enqueue_dma source(%dma_start3A_53 : memref<80xi32, #tpu.memory_space<hbm>>) target(%arg6 : memref<80xi32, #tpu.memory_space<vmem>>) target_semaphore(%run_scoped3A : memref<!tpu.dma_semaphore, #tpu.memory_space<semaphore_mem>>)
        %dma_wait3A_54 = tpu.memref_slice %arg3[%add3A_46] : memref<320000xi32, #tpu.memory_space<hbm>> -> memref<80xi32, #tpu.memory_space<hbm>>
        %dma_wait3A_55 = tpu.memref_slice %arg3[%add3A_46] : memref<320000xi32, #tpu.memory_space<hbm>> -> memref<80xi32, #tpu.memory_space<hbm>>
        tpu.wait_dma2 semaphore(%run_scoped3A : memref<!tpu.dma_semaphore, #tpu.memory_space<semaphore_mem>>) src(%dma_wait3A_55 : memref<80xi32, #tpu.memory_space<hbm>>) dst(%arg6 : memref<80xi32, #tpu.memory_space<vmem>>)
        tpu.yield
      }) : () -> ()
      "tpu.region"() ({
        %run_scoped3A = tpu.sem_alloc : memref<!tpu.dma_semaphore, #tpu.memory_space<semaphore_mem>>
        %dma_start3A_52 = tpu.memref_slice %arg4[%add3A_46] : memref<320000xi32, #tpu.memory_space<hbm>> -> memref<80xi32, #tpu.memory_space<hbm>>
        %dma_start3A_53 = tpu.memref_slice %arg4[%add3A_46] : memref<320000xi32, #tpu.memory_space<hbm>> -> memref<80xi32, #tpu.memory_space<hbm>>
        tpu.enqueue_dma source(%dma_start3A_53 : memref<80xi32, #tpu.memory_space<hbm>>) target(%arg7 : memref<80xi32, #tpu.memory_space<vmem>>) target_semaphore(%run_scoped3A : memref<!tpu.dma_semaphore, #tpu.memory_space<semaphore_mem>>)
        %dma_wait3A_54 = tpu.memref_slice %arg4[%add3A_46] : memref<320000xi32, #tpu.memory_space<hbm>> -> memref<80xi32, #tpu.memory_space<hbm>>
        %dma_wait3A_55 = tpu.memref_slice %arg4[%add3A_46] : memref<320000xi32, #tpu.memory_space<hbm>> -> memref<80xi32, #tpu.memory_space<hbm>>
        tpu.wait_dma2 semaphore(%run_scoped3A : memref<!tpu.dma_semaphore, #tpu.memory_space<semaphore_mem>>) src(%dma_wait3A_55 : memref<80xi32, #tpu.memory_space<hbm>>) dst(%arg7 : memref<80xi32, #tpu.memory_space<vmem>>)
        tpu.yield
      }) : () -> ()
      %dma_start3A = arith.constant 0 : i32
      %dma_start3A_47 = arith.constant 0 : i32
      %dma_start3A_48 = tpu.memref_slice %arg2[%dma_start3A, %dma_start3A_47] : memref<10000x128xf32, #tpu.memory_space<hbm>> -> memref<10000x128xf32, #tpu.memory_space<hbm>>
      tpu.enqueue_indirect_dma source(%dma_start3A_48 : memref<10000x128xf32, #tpu.memory_space<hbm>>) target(%arg8 : memref<80x128xf32, #tpu.memory_space<vmem>>) offsets(%arg6 : memref<80xi32, #tpu.memory_space<vmem>>) semaphore(%arg11 : memref<!tpu.dma_semaphore, #tpu.memory_space<semaphore_mem>>)
      %dma_wait3A = arith.constant 0 : i32
      %dma_wait3A_49 = arith.constant 0 : i32
      %dma_wait3A_50 = tpu.memref_slice %arg2[%dma_wait3A, %dma_wait3A_49] : memref<10000x128xf32, #tpu.memory_space<hbm>> -> memref<10000x128xf32, #tpu.memory_space<hbm>>
      tpu.wait_indirect_dma semaphore(%arg11 : memref<!tpu.dma_semaphore, #tpu.memory_space<semaphore_mem>>) src(%dma_wait3A_50 : memref<10000x128xf32, #tpu.memory_space<hbm>>) dst(%arg8 : memref<80x128xf32, #tpu.memory_space<vmem>>)
      "tpu.region"() ({
        %run_scoped3A = tpu.sem_alloc : memref<!tpu.dma_semaphore, #tpu.memory_space<semaphore_mem>>
        %dma_start3A_52 = arith.constant 0 : i32
        %dma_start3A_53 = arith.constant 0 : i32
        %dma_start3A_54 = tpu.memref_slice %arg10[%dma_start3A_52, %dma_start3A_53] : memref<10240x128xf32, #tpu.memory_space<vmem_shared>> -> memref<10240x128xf32, #tpu.memory_space<vmem_shared>>
        tpu.enqueue_indirect_dma source(%arg8 : memref<80x128xf32, #tpu.memory_space<vmem>>) target(%dma_start3A_54 : memref<10240x128xf32, #tpu.memory_space<vmem_shared>>) offsets(%arg7 : memref<80xi32, #tpu.memory_space<vmem>>) semaphore(%run_scoped3A : memref<!tpu.dma_semaphore, #tpu.memory_space<semaphore_mem>>) {add = true}
        %dma_wait3A_55 = arith.constant 0 : i32
        %dma_wait3A_56 = arith.constant 0 : i32
        %dma_wait3A_57 = tpu.memref_slice %arg10[%dma_wait3A_55, %dma_wait3A_56] : memref<10240x128xf32, #tpu.memory_space<vmem_shared>> -> memref<10240x128xf32, #tpu.memory_space<vmem_shared>>
        tpu.wait_indirect_dma semaphore(%run_scoped3A : memref<!tpu.dma_semaphore, #tpu.memory_space<semaphore_mem>>) src(%arg8 : memref<80x128xf32, #tpu.memory_space<vmem>>) dst(%dma_wait3A_57 : memref<10240x128xf32, #tpu.memory_space<vmem_shared>>)
        tpu.yield
      }) : () -> ()
      %scan3A_51 = arith.constant 0 : i32
      scf.yield %scan3A_51 : i32
    }
    %scan3A_36 = arith.constant 125 : i32
    %barrier3A_37 = arith.constant 0 : index
    tpu.barrier barrier_id(%barrier3A_37)
    %mul3A_38 = arith.constant 640 : i32
    %mul3A_39 = arith.muli %arg1, %mul3A_38 : i32
    %mul3A_40 = arith.constant 640 : i32
    %mul3A_41 = arith.muli %arg1, %mul3A_40 : i32
    "tpu.region"() ({
      %run_scoped3A = tpu.sem_alloc : memref<!tpu.dma_semaphore, #tpu.memory_space<semaphore_mem>>
      %dma_start3A = arith.constant 0 : i32
      %dma_start3A_42 = tpu.memref_slice %arg5[%arg0, %mul3A_41, %dma_start3A] : memref<2x10240x128xf32, #tpu.memory_space<hbm>> -> memref<1x640x128xf32, #tpu.memory_space<hbm>>
      %dma_start3A_43 = tpu.memref_squeeze %dma_start3A_42 : memref<1x640x128xf32, #tpu.memory_space<hbm>> -> memref<640x128xf32, #tpu.memory_space<hbm>>
      %dma_start3A_44 = arith.constant 0 : i32
      %dma_start3A_45 = tpu.memref_slice %arg10[%mul3A_39, %dma_start3A_44] : memref<10240x128xf32, #tpu.memory_space<vmem_shared>> -> memref<640x128xf32, #tpu.memory_space<vmem_shared>>
      tpu.enqueue_dma source(%dma_start3A_45 : memref<640x128xf32, #tpu.memory_space<vmem_shared>>) target(%dma_start3A_43 : memref<640x128xf32, #tpu.memory_space<hbm>>) target_semaphore(%run_scoped3A : memref<!tpu.dma_semaphore, #tpu.memory_space<semaphore_mem>>)
      %dma_wait3A = arith.constant 0 : i32
      %dma_wait3A_46 = tpu.memref_slice %arg5[%arg0, %mul3A_41, %dma_wait3A] : memref<2x10240x128xf32, #tpu.memory_space<hbm>> -> memref<1x640x128xf32, #tpu.memory_space<hbm>>
      %dma_wait3A_47 = tpu.memref_squeeze %dma_wait3A_46 : memref<1x640x128xf32, #tpu.memory_space<hbm>> -> memref<640x128xf32, #tpu.memory_space<hbm>>
      %dma_wait3A_48 = arith.constant 0 : i32
      %dma_wait3A_49 = tpu.memref_slice %arg10[%mul3A_39, %dma_wait3A_48] : memref<10240x128xf32, #tpu.memory_space<vmem_shared>> -> memref<640x128xf32, #tpu.memory_space<vmem_shared>>
      tpu.wait_dma2 semaphore(%run_scoped3A : memref<!tpu.dma_semaphore, #tpu.memory_space<semaphore_mem>>) src(%dma_wait3A_49 : memref<640x128xf32, #tpu.memory_space<vmem_shared>>) dst(%dma_wait3A_47 : memref<640x128xf32, #tpu.memory_space<hbm>>)
      tpu.yield
    }) : () -> ()
    return
  }
}

#map = affine_map<(d0, d1) -> (0, 0)>
#map1 = affine_map<(d0, d1) -> (0)>
#map2 = affine_map<(d0, d1) -> (0, 0, 0)>
module attributes {stable_mosaic.version = 14 : i64} {
  func.func @_agg_body(%arg0: i32, %arg1: i32, %arg2: memref<10000x128xf32, #tpu.memory_space<hbm>>, %arg3: memref<320000xi32, #tpu.memory_space<hbm>>, %arg4: memref<320000xi32, #tpu.memory_space<hbm>>, %arg5: memref<2x10240x128xf32, #tpu.memory_space<hbm>>, %arg6: memref<80xi32, #tpu.memory_space<vmem>>, %arg7: memref<80xi32, #tpu.memory_space<vmem>>, %arg8: memref<80x128xf32, #tpu.memory_space<vmem>>, %arg9: memref<128x128xf32, #tpu.memory_space<vmem>>, %arg10: memref<10240x128xf32, #tpu.memory_space<vmem_shared>>, %arg11: memref<!tpu.dma_semaphore, #tpu.memory_space<semaphore_mem>>) attributes {dimension_semantics = [#tpu.dimension_semantics<core_parallel>, #tpu.dimension_semantics<subcore_parallel>], iteration_bounds = array<i64: 2, 16>, scalar_prefetch = 0 : i64, scratch_operands = 6 : i64, tpu.core_type = #tpu.core_type<sc_vector_subcore>, window_params = [{transform_indices = #map}, {transform_indices = #map1}, {transform_indices = #map1}, {transform_indices = #map2}]} {
    %mul3A = arith.constant 2 : i32
    %mul3A_0 = arith.muli %arg1, %mul3A : i32
    %add3A = arith.addi %mul3A_0, %arg0 : i32
    %broadcast_in_dim3A = arith.constant 0.000000e+00 : f32
    %broadcast_in_dim3A_1 = vector.broadcast %broadcast_in_dim3A : f32 to vector<16xf32>
    %scan3A = arith.constant 0 : i32
    %scan3A_2 = arith.constant 0 : i32
    %scan3A_3 = arith.constant 128 : i32
    %scan3A_4 = arith.addi %scan3A_2, %scan3A_3 : i32
    %scan3A_5 = arith.constant 1 : i32
    %scan3A_6 = scf.for %scan3A_42 = %scan3A_2 to %scan3A_4 step %scan3A_5 iter_args(%scan3A_43 = %scan3A) -> (i32)  : i32 {
      %swap3A = arith.index_cast %scan3A_42 : i32 to index
      %swap3A_44 = arith.constant 0 : index
      %swap3A_45 = tpu.vector_load %arg9[%swap3A, %swap3A_44] {strides = array<i32>} : memref<128x128xf32, #tpu.memory_space<vmem>>, vector<1x16xf32>,
      %swap3A_46 = vector.shape_cast %swap3A_45 : vector<1x16xf32> to vector<16xf32>
      %swap3A_47 = vector.shape_cast %broadcast_in_dim3A_1 : vector<16xf32> to vector<1x16xf32>
      tpu.vector_store %arg9[%swap3A, %swap3A_44], %swap3A_47 {strides = array<i32>} : memref<128x128xf32, #tpu.memory_space<vmem>>, vector<1x16xf32>,
      %swap3A_48 = arith.index_cast %scan3A_42 : i32 to index
      %swap3A_49 = arith.constant 16 : index
      %swap3A_50 = tpu.vector_load %arg9[%swap3A_48, %swap3A_49] {strides = array<i32>} : memref<128x128xf32, #tpu.memory_space<vmem>>, vector<1x16xf32>,
      %swap3A_51 = vector.shape_cast %swap3A_50 : vector<1x16xf32> to vector<16xf32>
      %swap3A_52 = vector.shape_cast %broadcast_in_dim3A_1 : vector<16xf32> to vector<1x16xf32>
      tpu.vector_store %arg9[%swap3A_48, %swap3A_49], %swap3A_52 {strides = array<i32>} : memref<128x128xf32, #tpu.memory_space<vmem>>, vector<1x16xf32>,
      %swap3A_53 = arith.index_cast %scan3A_42 : i32 to index
      %swap3A_54 = arith.constant 32 : index
      %swap3A_55 = tpu.vector_load %arg9[%swap3A_53, %swap3A_54] {strides = array<i32>} : memref<128x128xf32, #tpu.memory_space<vmem>>, vector<1x16xf32>,
      %swap3A_56 = vector.shape_cast %swap3A_55 : vector<1x16xf32> to vector<16xf32>
      %swap3A_57 = vector.shape_cast %broadcast_in_dim3A_1 : vector<16xf32> to vector<1x16xf32>
      tpu.vector_store %arg9[%swap3A_53, %swap3A_54], %swap3A_57 {strides = array<i32>} : memref<128x128xf32, #tpu.memory_space<vmem>>, vector<1x16xf32>,
      %swap3A_58 = arith.index_cast %scan3A_42 : i32 to index
      %swap3A_59 = arith.constant 48 : index
      %swap3A_60 = tpu.vector_load %arg9[%swap3A_58, %swap3A_59] {strides = array<i32>} : memref<128x128xf32, #tpu.memory_space<vmem>>, vector<1x16xf32>,
      %swap3A_61 = vector.shape_cast %swap3A_60 : vector<1x16xf32> to vector<16xf32>
      %swap3A_62 = vector.shape_cast %broadcast_in_dim3A_1 : vector<16xf32> to vector<1x16xf32>
      tpu.vector_store %arg9[%swap3A_58, %swap3A_59], %swap3A_62 {strides = array<i32>} : memref<128x128xf32, #tpu.memory_space<vmem>>, vector<1x16xf32>,
      %swap3A_63 = arith.index_cast %scan3A_42 : i32 to index
      %swap3A_64 = arith.constant 64 : index
      %swap3A_65 = tpu.vector_load %arg9[%swap3A_63, %swap3A_64] {strides = array<i32>} : memref<128x128xf32, #tpu.memory_space<vmem>>, vector<1x16xf32>,
      %swap3A_66 = vector.shape_cast %swap3A_65 : vector<1x16xf32> to vector<16xf32>
      %swap3A_67 = vector.shape_cast %broadcast_in_dim3A_1 : vector<16xf32> to vector<1x16xf32>
      tpu.vector_store %arg9[%swap3A_63, %swap3A_64], %swap3A_67 {strides = array<i32>} : memref<128x128xf32, #tpu.memory_space<vmem>>, vector<1x16xf32>,
      %swap3A_68 = arith.index_cast %scan3A_42 : i32 to index
      %swap3A_69 = arith.constant 80 : index
      %swap3A_70 = tpu.vector_load %arg9[%swap3A_68, %swap3A_69] {strides = array<i32>} : memref<128x128xf32, #tpu.memory_space<vmem>>, vector<1x16xf32>,
      %swap3A_71 = vector.shape_cast %swap3A_70 : vector<1x16xf32> to vector<16xf32>
      %swap3A_72 = vector.shape_cast %broadcast_in_dim3A_1 : vector<16xf32> to vector<1x16xf32>
      tpu.vector_store %arg9[%swap3A_68, %swap3A_69], %swap3A_72 {strides = array<i32>} : memref<128x128xf32, #tpu.memory_space<vmem>>, vector<1x16xf32>,
      %swap3A_73 = arith.index_cast %scan3A_42 : i32 to index
      %swap3A_74 = arith.constant 96 : index
      %swap3A_75 = tpu.vector_load %arg9[%swap3A_73, %swap3A_74] {strides = array<i32>} : memref<128x128xf32, #tpu.memory_space<vmem>>, vector<1x16xf32>,
      %swap3A_76 = vector.shape_cast %swap3A_75 : vector<1x16xf32> to vector<16xf32>
      %swap3A_77 = vector.shape_cast %broadcast_in_dim3A_1 : vector<16xf32> to vector<1x16xf32>
      tpu.vector_store %arg9[%swap3A_73, %swap3A_74], %swap3A_77 {strides = array<i32>} : memref<128x128xf32, #tpu.memory_space<vmem>>, vector<1x16xf32>,
      %swap3A_78 = arith.index_cast %scan3A_42 : i32 to index
      %swap3A_79 = arith.constant 112 : index
      %swap3A_80 = tpu.vector_load %arg9[%swap3A_78, %swap3A_79] {strides = array<i32>} : memref<128x128xf32, #tpu.memory_space<vmem>>, vector<1x16xf32>,
      %swap3A_81 = vector.shape_cast %swap3A_80 : vector<1x16xf32> to vector<16xf32>
      %swap3A_82 = vector.shape_cast %broadcast_in_dim3A_1 : vector<16xf32> to vector<1x16xf32>
      tpu.vector_store %arg9[%swap3A_78, %swap3A_79], %swap3A_82 {strides = array<i32>} : memref<128x128xf32, #tpu.memory_space<vmem>>, vector<1x16xf32>,
      %scan3A_83 = arith.constant 0 : i32
      scf.yield %scan3A_83 : i32
    }
    %scan3A_7 = arith.constant 128 : i32
    %mul3A_8 = arith.constant 640 : i32
    %mul3A_9 = arith.muli %arg1, %mul3A_8 : i32
    %add3A_10 = arith.constant 0 : i32
    %add3A_11 = arith.addi %mul3A_9, %add3A_10 : i32
    "tpu.region"() ({
      %run_scoped3A = tpu.sem_alloc : memref<!tpu.dma_semaphore, #tpu.memory_space<semaphore_mem>>
      %dma_start3A = arith.constant 0 : i32
      %dma_start3A_42 = tpu.memref_slice %arg10[%add3A_11, %dma_start3A] : memref<10240x128xf32, #tpu.memory_space<vmem_shared>> -> memref<128x128xf32, #tpu.memory_space<vmem_shared>>
      %dma_start3A_43 = arith.constant 0 : i32
      %dma_start3A_44 = tpu.memref_slice %arg10[%add3A_11, %dma_start3A_43] : memref<10240x128xf32, #tpu.memory_space<vmem_shared>> -> memref<128x128xf32, #tpu.memory_space<vmem_shared>>
      tpu.enqueue_dma source(%arg9 : memref<128x128xf32, #tpu.memory_space<vmem>>) target(%dma_start3A_44 : memref<128x128xf32, #tpu.memory_space<vmem_shared>>) target_semaphore(%run_scoped3A : memref<!tpu.dma_semaphore, #tpu.memory_space<semaphore_mem>>)
      %dma_wait3A = arith.constant 0 : i32
      %dma_wait3A_45 = tpu.memref_slice %arg10[%add3A_11, %dma_wait3A] : memref<10240x128xf32, #tpu.memory_space<vmem_shared>> -> memref<128x128xf32, #tpu.memory_space<vmem_shared>>
      %dma_wait3A_46 = arith.constant 0 : i32
      %dma_wait3A_47 = tpu.memref_slice %arg10[%add3A_11, %dma_wait3A_46] : memref<10240x128xf32, #tpu.memory_space<vmem_shared>> -> memref<128x128xf32, #tpu.memory_space<vmem_shared>>
      tpu.wait_dma2 semaphore(%run_scoped3A : memref<!tpu.dma_semaphore, #tpu.memory_space<semaphore_mem>>) src(%arg9 : memref<128x128xf32, #tpu.memory_space<vmem>>) dst(%dma_wait3A_47 : memref<128x128xf32, #tpu.memory_space<vmem_shared>>)
      tpu.yield
    }) : () -> ()
    %mul3A_12 = arith.constant 640 : i32
    %mul3A_13 = arith.muli %arg1, %mul3A_12 : i32
    %add3A_14 = arith.constant 128 : i32
    %add3A_15 = arith.addi %mul3A_13, %add3A_14 : i32
    "tpu.region"() ({
      %run_scoped3A = tpu.sem_alloc : memref<!tpu.dma_semaphore, #tpu.memory_space<semaphore_mem>>
      %dma_start3A = arith.constant 0 : i32
      %dma_start3A_42 = tpu.memref_slice %arg10[%add3A_15, %dma_start3A] : memref<10240x128xf32, #tpu.memory_space<vmem_shared>> -> memref<128x128xf32, #tpu.memory_space<vmem_shared>>
      %dma_start3A_43 = arith.constant 0 : i32
      %dma_start3A_44 = tpu.memref_slice %arg10[%add3A_15, %dma_start3A_43] : memref<10240x128xf32, #tpu.memory_space<vmem_shared>> -> memref<128x128xf32, #tpu.memory_space<vmem_shared>>
      tpu.enqueue_dma source(%arg9 : memref<128x128xf32, #tpu.memory_space<vmem>>) target(%dma_start3A_44 : memref<128x128xf32, #tpu.memory_space<vmem_shared>>) target_semaphore(%run_scoped3A : memref<!tpu.dma_semaphore, #tpu.memory_space<semaphore_mem>>)
      %dma_wait3A = arith.constant 0 : i32
      %dma_wait3A_45 = tpu.memref_slice %arg10[%add3A_15, %dma_wait3A] : memref<10240x128xf32, #tpu.memory_space<vmem_shared>> -> memref<128x128xf32, #tpu.memory_space<vmem_shared>>
      %dma_wait3A_46 = arith.constant 0 : i32
      %dma_wait3A_47 = tpu.memref_slice %arg10[%add3A_15, %dma_wait3A_46] : memref<10240x128xf32, #tpu.memory_space<vmem_shared>> -> memref<128x128xf32, #tpu.memory_space<vmem_shared>>
      tpu.wait_dma2 semaphore(%run_scoped3A : memref<!tpu.dma_semaphore, #tpu.memory_space<semaphore_mem>>) src(%arg9 : memref<128x128xf32, #tpu.memory_space<vmem>>) dst(%dma_wait3A_47 : memref<128x128xf32, #tpu.memory_space<vmem_shared>>)
      tpu.yield
    }) : () -> ()
    %mul3A_16 = arith.constant 640 : i32
    %mul3A_17 = arith.muli %arg1, %mul3A_16 : i32
    %add3A_18 = arith.constant 256 : i32
    %add3A_19 = arith.addi %mul3A_17, %add3A_18 : i32
    "tpu.region"() ({
      %run_scoped3A = tpu.sem_alloc : memref<!tpu.dma_semaphore, #tpu.memory_space<semaphore_mem>>
      %dma_start3A = arith.constant 0 : i32
      %dma_start3A_42 = tpu.memref_slice %arg10[%add3A_19, %dma_start3A] : memref<10240x128xf32, #tpu.memory_space<vmem_shared>> -> memref<128x128xf32, #tpu.memory_space<vmem_shared>>
      %dma_start3A_43 = arith.constant 0 : i32
      %dma_start3A_44 = tpu.memref_slice %arg10[%add3A_19, %dma_start3A_43] : memref<10240x128xf32, #tpu.memory_space<vmem_shared>> -> memref<128x128xf32, #tpu.memory_space<vmem_shared>>
      tpu.enqueue_dma source(%arg9 : memref<128x128xf32, #tpu.memory_space<vmem>>) target(%dma_start3A_44 : memref<128x128xf32, #tpu.memory_space<vmem_shared>>) target_semaphore(%run_scoped3A : memref<!tpu.dma_semaphore, #tpu.memory_space<semaphore_mem>>)
      %dma_wait3A = arith.constant 0 : i32
      %dma_wait3A_45 = tpu.memref_slice %arg10[%add3A_19, %dma_wait3A] : memref<10240x128xf32, #tpu.memory_space<vmem_shared>> -> memref<128x128xf32, #tpu.memory_space<vmem_shared>>
      %dma_wait3A_46 = arith.constant 0 : i32
      %dma_wait3A_47 = tpu.memref_slice %arg10[%add3A_19, %dma_wait3A_46] : memref<10240x128xf32, #tpu.memory_space<vmem_shared>> -> memref<128x128xf32, #tpu.memory_space<vmem_shared>>
      tpu.wait_dma2 semaphore(%run_scoped3A : memref<!tpu.dma_semaphore, #tpu.memory_space<semaphore_mem>>) src(%arg9 : memref<128x128xf32, #tpu.memory_space<vmem>>) dst(%dma_wait3A_47 : memref<128x128xf32, #tpu.memory_space<vmem_shared>>)
      tpu.yield
    }) : () -> ()
    %mul3A_20 = arith.constant 640 : i32
    %mul3A_21 = arith.muli %arg1, %mul3A_20 : i32
    %add3A_22 = arith.constant 384 : i32
    %add3A_23 = arith.addi %mul3A_21, %add3A_22 : i32
    "tpu.region"() ({
      %run_scoped3A = tpu.sem_alloc : memref<!tpu.dma_semaphore, #tpu.memory_space<semaphore_mem>>
      %dma_start3A = arith.constant 0 : i32
      %dma_start3A_42 = tpu.memref_slice %arg10[%add3A_23, %dma_start3A] : memref<10240x128xf32, #tpu.memory_space<vmem_shared>> -> memref<128x128xf32, #tpu.memory_space<vmem_shared>>
      %dma_start3A_43 = arith.constant 0 : i32
      %dma_start3A_44 = tpu.memref_slice %arg10[%add3A_23, %dma_start3A_43] : memref<10240x128xf32, #tpu.memory_space<vmem_shared>> -> memref<128x128xf32, #tpu.memory_space<vmem_shared>>
      tpu.enqueue_dma source(%arg9 : memref<128x128xf32, #tpu.memory_space<vmem>>) target(%dma_start3A_44 : memref<128x128xf32, #tpu.memory_space<vmem_shared>>) target_semaphore(%run_scoped3A : memref<!tpu.dma_semaphore, #tpu.memory_space<semaphore_mem>>)
      %dma_wait3A = arith.constant 0 : i32
      %dma_wait3A_45 = tpu.memref_slice %arg10[%add3A_23, %dma_wait3A] : memref<10240x128xf32, #tpu.memory_space<vmem_shared>> -> memref<128x128xf32, #tpu.memory_space<vmem_shared>>
      %dma_wait3A_46 = arith.constant 0 : i32
      %dma_wait3A_47 = tpu.memref_slice %arg10[%add3A_23, %dma_wait3A_46] : memref<10240x128xf32, #tpu.memory_space<vmem_shared>> -> memref<128x128xf32, #tpu.memory_space<vmem_shared>>
      tpu.wait_dma2 semaphore(%run_scoped3A : memref<!tpu.dma_semaphore, #tpu.memory_space<semaphore_mem>>) src(%arg9 : memref<128x128xf32, #tpu.memory_space<vmem>>) dst(%dma_wait3A_47 : memref<128x128xf32, #tpu.memory_space<vmem_shared>>)
      tpu.yield
    }) : () -> ()
    %mul3A_24 = arith.constant 640 : i32
    %mul3A_25 = arith.muli %arg1, %mul3A_24 : i32
    %add3A_26 = arith.constant 512 : i32
    %add3A_27 = arith.addi %mul3A_25, %add3A_26 : i32
    "tpu.region"() ({
      %run_scoped3A = tpu.sem_alloc : memref<!tpu.dma_semaphore, #tpu.memory_space<semaphore_mem>>
      %dma_start3A = arith.constant 0 : i32
      %dma_start3A_42 = tpu.memref_slice %arg10[%add3A_27, %dma_start3A] : memref<10240x128xf32, #tpu.memory_space<vmem_shared>> -> memref<128x128xf32, #tpu.memory_space<vmem_shared>>
      %dma_start3A_43 = arith.constant 0 : i32
      %dma_start3A_44 = tpu.memref_slice %arg10[%add3A_27, %dma_start3A_43] : memref<10240x128xf32, #tpu.memory_space<vmem_shared>> -> memref<128x128xf32, #tpu.memory_space<vmem_shared>>
      tpu.enqueue_dma source(%arg9 : memref<128x128xf32, #tpu.memory_space<vmem>>) target(%dma_start3A_44 : memref<128x128xf32, #tpu.memory_space<vmem_shared>>) target_semaphore(%run_scoped3A : memref<!tpu.dma_semaphore, #tpu.memory_space<semaphore_mem>>)
      %dma_wait3A = arith.constant 0 : i32
      %dma_wait3A_45 = tpu.memref_slice %arg10[%add3A_27, %dma_wait3A] : memref<10240x128xf32, #tpu.memory_space<vmem_shared>> -> memref<128x128xf32, #tpu.memory_space<vmem_shared>>
      %dma_wait3A_46 = arith.constant 0 : i32
      %dma_wait3A_47 = tpu.memref_slice %arg10[%add3A_27, %dma_wait3A_46] : memref<10240x128xf32, #tpu.memory_space<vmem_shared>> -> memref<128x128xf32, #tpu.memory_space<vmem_shared>>
      tpu.wait_dma2 semaphore(%run_scoped3A : memref<!tpu.dma_semaphore, #tpu.memory_space<semaphore_mem>>) src(%arg9 : memref<128x128xf32, #tpu.memory_space<vmem>>) dst(%dma_wait3A_47 : memref<128x128xf32, #tpu.memory_space<vmem_shared>>)
      tpu.yield
    }) : () -> ()
    %barrier3A = arith.constant 0 : index
    tpu.barrier barrier_id(%barrier3A)
    %mul3A_28 = arith.constant 10000 : i32
    %mul3A_29 = arith.muli %add3A, %mul3A_28 : i32
    %scan3A_30 = arith.constant 0 : i32
    %scan3A_31 = arith.constant 0 : i32
    %scan3A_32 = arith.constant 125 : i32
    %scan3A_33 = arith.addi %scan3A_31, %scan3A_32 : i32
    %scan3A_34 = arith.constant 1 : i32
    %scan3A_35 = scf.for %scan3A_42 = %scan3A_31 to %scan3A_33 step %scan3A_34 iter_args(%scan3A_43 = %scan3A_30) -> (i32)  : i32 {
      %mul3A_44 = arith.constant 80 : i32
      %mul3A_45 = arith.muli %scan3A_42, %mul3A_44 : i32
      %add3A_46 = arith.addi %mul3A_29, %mul3A_45 : i32
      "tpu.region"() ({
        %run_scoped3A = tpu.sem_alloc : memref<!tpu.dma_semaphore, #tpu.memory_space<semaphore_mem>>
        %dma_start3A_52 = tpu.memref_slice %arg3[%add3A_46] : memref<320000xi32, #tpu.memory_space<hbm>> -> memref<80xi32, #tpu.memory_space<hbm>>
        %dma_start3A_53 = tpu.memref_slice %arg3[%add3A_46] : memref<320000xi32, #tpu.memory_space<hbm>> -> memref<80xi32, #tpu.memory_space<hbm>>
        tpu.enqueue_dma source(%dma_start3A_53 : memref<80xi32, #tpu.memory_space<hbm>>) target(%arg6 : memref<80xi32, #tpu.memory_space<vmem>>) target_semaphore(%run_scoped3A : memref<!tpu.dma_semaphore, #tpu.memory_space<semaphore_mem>>)
        %dma_wait3A_54 = tpu.memref_slice %arg3[%add3A_46] : memref<320000xi32, #tpu.memory_space<hbm>> -> memref<80xi32, #tpu.memory_space<hbm>>
        %dma_wait3A_55 = tpu.memref_slice %arg3[%add3A_46] : memref<320000xi32, #tpu.memory_space<hbm>> -> memref<80xi32, #tpu.memory_space<hbm>>
        tpu.wait_dma2 semaphore(%run_scoped3A : memref<!tpu.dma_semaphore, #tpu.memory_space<semaphore_mem>>) src(%dma_wait3A_55 : memref<80xi32, #tpu.memory_space<hbm>>) dst(%arg6 : memref<80xi32, #tpu.memory_space<vmem>>)
        tpu.yield
      }) : () -> ()
      "tpu.region"() ({
        %run_scoped3A = tpu.sem_alloc : memref<!tpu.dma_semaphore, #tpu.memory_space<semaphore_mem>>
        %dma_start3A_52 = tpu.memref_slice %arg4[%add3A_46] : memref<320000xi32, #tpu.memory_space<hbm>> -> memref<80xi32, #tpu.memory_space<hbm>>
        %dma_start3A_53 = tpu.memref_slice %arg4[%add3A_46] : memref<320000xi32, #tpu.memory_space<hbm>> -> memref<80xi32, #tpu.memory_space<hbm>>
        tpu.enqueue_dma source(%dma_start3A_53 : memref<80xi32, #tpu.memory_space<hbm>>) target(%arg7 : memref<80xi32, #tpu.memory_space<vmem>>) target_semaphore(%run_scoped3A : memref<!tpu.dma_semaphore, #tpu.memory_space<semaphore_mem>>)
        %dma_wait3A_54 = tpu.memref_slice %arg4[%add3A_46] : memref<320000xi32, #tpu.memory_space<hbm>> -> memref<80xi32, #tpu.memory_space<hbm>>
        %dma_wait3A_55 = tpu.memref_slice %arg4[%add3A_46] : memref<320000xi32, #tpu.memory_space<hbm>> -> memref<80xi32, #tpu.memory_space<hbm>>
        tpu.wait_dma2 semaphore(%run_scoped3A : memref<!tpu.dma_semaphore, #tpu.memory_space<semaphore_mem>>) src(%dma_wait3A_55 : memref<80xi32, #tpu.memory_space<hbm>>) dst(%arg7 : memref<80xi32, #tpu.memory_space<vmem>>)
        tpu.yield
      }) : () -> ()
      %dma_start3A = arith.constant 0 : i32
      %dma_start3A_47 = arith.constant 0 : i32
      %dma_start3A_48 = tpu.memref_slice %arg2[%dma_start3A, %dma_start3A_47] : memref<10000x128xf32, #tpu.memory_space<hbm>> -> memref<10000x128xf32, #tpu.memory_space<hbm>>
      tpu.enqueue_indirect_dma source(%dma_start3A_48 : memref<10000x128xf32, #tpu.memory_space<hbm>>) target(%arg8 : memref<80x128xf32, #tpu.memory_space<vmem>>) offsets(%arg6 : memref<80xi32, #tpu.memory_space<vmem>>) semaphore(%arg11 : memref<!tpu.dma_semaphore, #tpu.memory_space<semaphore_mem>>)
      %dma_wait3A = arith.constant 0 : i32
      %dma_wait3A_49 = arith.constant 0 : i32
      %dma_wait3A_50 = tpu.memref_slice %arg2[%dma_wait3A, %dma_wait3A_49] : memref<10000x128xf32, #tpu.memory_space<hbm>> -> memref<10000x128xf32, #tpu.memory_space<hbm>>
      tpu.wait_indirect_dma semaphore(%arg11 : memref<!tpu.dma_semaphore, #tpu.memory_space<semaphore_mem>>) src(%dma_wait3A_50 : memref<10000x128xf32, #tpu.memory_space<hbm>>) dst(%arg8 : memref<80x128xf32, #tpu.memory_space<vmem>>)
      "tpu.region"() ({
        %run_scoped3A = tpu.sem_alloc : memref<!tpu.dma_semaphore, #tpu.memory_space<semaphore_mem>>
        %dma_start3A_52 = arith.constant 0 : i32
        %dma_start3A_53 = arith.constant 0 : i32
        %dma_start3A_54 = tpu.memref_slice %arg10[%dma_start3A_52, %dma_start3A_53] : memref<10240x128xf32, #tpu.memory_space<vmem_shared>> -> memref<10240x128xf32, #tpu.memory_space<vmem_shared>>
        tpu.enqueue_indirect_dma source(%arg8 : memref<80x128xf32, #tpu.memory_space<vmem>>) target(%dma_start3A_54 : memref<10240x128xf32, #tpu.memory_space<vmem_shared>>) offsets(%arg7 : memref<80xi32, #tpu.memory_space<vmem>>) semaphore(%run_scoped3A : memref<!tpu.dma_semaphore, #tpu.memory_space<semaphore_mem>>) {add = true}
        %dma_wait3A_55 = arith.constant 0 : i32
        %dma_wait3A_56 = arith.constant 0 : i32
        %dma_wait3A_57 = tpu.memref_slice %arg10[%dma_wait3A_55, %dma_wait3A_56] : memref<10240x128xf32, #tpu.memory_space<vmem_shared>> -> memref<10240x128xf32, #tpu.memory_space<vmem_shared>>
        tpu.wait_indirect_dma semaphore(%run_scoped3A : memref<!tpu.dma_semaphore, #tpu.memory_space<semaphore_mem>>) src(%arg8 : memref<80x128xf32, #tpu.memory_space<vmem>>) dst(%dma_wait3A_57 : memref<10240x128xf32, #tpu.memory_space<vmem_shared>>)
        tpu.yield
      }) : () -> ()
      %scan3A_51 = arith.constant 0 : i32
      scf.yield %scan3A_51 : i32
    }
    %scan3A_36 = arith.constant 125 : i32
    %barrier3A_37 = arith.constant 0 : index
    tpu.barrier barrier_id(%barrier3A_37)
    %mul3A_38 = arith.constant 640 : i32
    %mul3A_39 = arith.muli %arg1, %mul3A_38 : i32
    %mul3A_40 = arith.constant 640 : i32
    %mul3A_41 = arith.muli %arg1, %mul3A_40 : i32
    "tpu.region"() ({
      %run_scoped3A = tpu.sem_alloc : memref<!tpu.dma_semaphore, #tpu.memory_space<semaphore_mem>>
      %dma_start3A = arith.constant 0 : i32
      %dma_start3A_42 = tpu.memref_slice %arg5[%arg0, %mul3A_41, %dma_start3A] : memref<2x10240x128xf32, #tpu.memory_space<hbm>> -> memref<1x640x128xf32, #tpu.memory_space<hbm>>
      %dma_start3A_43 = tpu.memref_squeeze %dma_start3A_42 : memref<1x640x128xf32, #tpu.memory_space<hbm>> -> memref<640x128xf32, #tpu.memory_space<hbm>>
      %dma_start3A_44 = arith.constant 0 : i32
      %dma_start3A_45 = tpu.memref_slice %arg10[%mul3A_39, %dma_start3A_44] : memref<10240x128xf32, #tpu.memory_space<vmem_shared>> -> memref<640x128xf32, #tpu.memory_space<vmem_shared>>
      tpu.enqueue_dma source(%dma_start3A_45 : memref<640x128xf32, #tpu.memory_space<vmem_shared>>) target(%dma_start3A_43 : memref<640x128xf32, #tpu.memory_space<hbm>>) target_semaphore(%run_scoped3A : memref<!tpu.dma_semaphore, #tpu.memory_space<semaphore_mem>>)
      %dma_wait3A = arith.constant 0 : i32
      %dma_wait3A_46 = tpu.memref_slice %arg5[%arg0, %mul3A_41, %dma_wait3A] : memref<2x10240x128xf32, #tpu.memory_space<hbm>> -> memref<1x640x128xf32, #tpu.memory_space<hbm>>
      %dma_wait3A_47 = tpu.memref_squeeze %dma_wait3A_46 : memref<1x640x128xf32, #tpu.memory_space<hbm>> -> memref<640x128xf32, #tpu.memory_space<hbm>>
      %dma_wait3A_48 = arith.constant 0 : i32
      %dma_wait3A_49 = tpu.memref_slice %arg10[%mul3A_39, %dma_wait3A_48] : memref<10240x128xf32, #tpu.memory_space<vmem_shared>> -> memref<640x128xf32, #tpu.memory_space<vmem_shared>>
      tpu.wait_dma2 semaphore(%run_scoped3A : memref<!tpu.dma_semaphore, #tpu.memory_space<semaphore_mem>>) src(%dma_wait3A_49 : memref<640x128xf32, #tpu.memory_space<vmem_shared>>) dst(%dma_wait3A_47 : memref<640x128xf32, #tpu.memory_space<hbm>>)
      tpu.yield
    }) : () -> ()
    return
  }
}

#map = affine_map<(d0, d1) -> (0)>
#map1 = affine_map<(d0, d1) -> (0, 0)>
#map2 = affine_map<(d0, d1) -> (0, 0, 0)>
module attributes {stable_mosaic.version = 14 : i64} {
  func.func @_deg_body(%arg0: i32, %arg1: i32, %arg2: memref<320000xi32, #tpu.memory_space<hbm>>, %arg3: memref<80x16xf32, #tpu.memory_space<hbm>>, %arg4: memref<640x16xf32, #tpu.memory_space<hbm>>, %arg5: memref<2x10240x16xf32, #tpu.memory_space<hbm>>, %arg6: memref<80xi32, #tpu.memory_space<vmem>>, %arg7: memref<80x16xf32, #tpu.memory_space<vmem>>, %arg8: memref<10240x16xf32, #tpu.memory_space<vmem_shared>>) attributes {dimension_semantics = [#tpu.dimension_semantics<core_parallel>, #tpu.dimension_semantics<subcore_parallel>], iteration_bounds = array<i64: 2, 16>, scalar_prefetch = 0 : i64, scratch_operands = 3 : i64, tpu.core_type = #tpu.core_type<sc_vector_subcore>, window_params = [{transform_indices = #map}, {transform_indices = #map1}, {transform_indices = #map1}, {transform_indices = #map2}]} {
    %mul3A = arith.constant 2 : i32
    %mul3A_0 = arith.muli %arg1, %mul3A : i32
    %add3A = arith.addi %mul3A_0, %arg0 : i32
    "tpu.region"() ({
      %run_scoped3A = tpu.sem_alloc : memref<!tpu.dma_semaphore, #tpu.memory_space<semaphore_mem>>
      tpu.enqueue_dma source(%arg3 : memref<80x16xf32, #tpu.memory_space<hbm>>) target(%arg7 : memref<80x16xf32, #tpu.memory_space<vmem>>) target_semaphore(%run_scoped3A : memref<!tpu.dma_semaphore, #tpu.memory_space<semaphore_mem>>)
      tpu.wait_dma2 semaphore(%run_scoped3A : memref<!tpu.dma_semaphore, #tpu.memory_space<semaphore_mem>>) src(%arg3 : memref<80x16xf32, #tpu.memory_space<hbm>>) dst(%arg7 : memref<80x16xf32, #tpu.memory_space<vmem>>)
      tpu.yield
    }) : () -> ()
    %mul3A_1 = arith.constant 640 : i32
    %mul3A_2 = arith.muli %arg1, %mul3A_1 : i32
    "tpu.region"() ({
      %run_scoped3A = tpu.sem_alloc : memref<!tpu.dma_semaphore, #tpu.memory_space<semaphore_mem>>
      %dma_start3A = arith.constant 0 : i32
      %dma_start3A_16 = tpu.memref_slice %arg8[%mul3A_2, %dma_start3A] : memref<10240x16xf32, #tpu.memory_space<vmem_shared>> -> memref<640x16xf32, #tpu.memory_space<vmem_shared>>
      tpu.enqueue_dma source(%arg4 : memref<640x16xf32, #tpu.memory_space<hbm>>) target(%dma_start3A_16 : memref<640x16xf32, #tpu.memory_space<vmem_shared>>) target_semaphore(%run_scoped3A : memref<!tpu.dma_semaphore, #tpu.memory_space<semaphore_mem>>)
      %dma_wait3A = arith.constant 0 : i32
      %dma_wait3A_17 = tpu.memref_slice %arg8[%mul3A_2, %dma_wait3A] : memref<10240x16xf32, #tpu.memory_space<vmem_shared>> -> memref<640x16xf32, #tpu.memory_space<vmem_shared>>
      tpu.wait_dma2 semaphore(%run_scoped3A : memref<!tpu.dma_semaphore, #tpu.memory_space<semaphore_mem>>) src(%arg4 : memref<640x16xf32, #tpu.memory_space<hbm>>) dst(%dma_wait3A_17 : memref<640x16xf32, #tpu.memory_space<vmem_shared>>)
      tpu.yield
    }) : () -> ()
    %barrier3A = arith.constant 0 : index
    tpu.barrier barrier_id(%barrier3A)
    %mul3A_3 = arith.constant 10000 : i32
    %mul3A_4 = arith.muli %add3A, %mul3A_3 : i32
    %scan3A = arith.constant 0 : i32
    %scan3A_5 = arith.constant 0 : i32
    %scan3A_6 = arith.constant 125 : i32
    %scan3A_7 = arith.addi %scan3A_5, %scan3A_6 : i32
    %scan3A_8 = arith.constant 1 : i32
    %scan3A_9 = scf.for %scan3A_16 = %scan3A_5 to %scan3A_7 step %scan3A_8 iter_args(%scan3A_17 = %scan3A) -> (i32)  : i32 {
      %mul3A_18 = arith.constant 80 : i32
      %mul3A_19 = arith.muli %scan3A_16, %mul3A_18 : i32
      %add3A_20 = arith.addi %mul3A_4, %mul3A_19 : i32
      "tpu.region"() ({
        %run_scoped3A = tpu.sem_alloc : memref<!tpu.dma_semaphore, #tpu.memory_space<semaphore_mem>>
        %dma_start3A = tpu.memref_slice %arg2[%add3A_20] : memref<320000xi32, #tpu.memory_space<hbm>> -> memref<80xi32, #tpu.memory_space<hbm>>
        %dma_start3A_22 = tpu.memref_slice %arg2[%add3A_20] : memref<320000xi32, #tpu.memory_space<hbm>> -> memref<80xi32, #tpu.memory_space<hbm>>
        tpu.enqueue_dma source(%dma_start3A_22 : memref<80xi32, #tpu.memory_space<hbm>>) target(%arg6 : memref<80xi32, #tpu.memory_space<vmem>>) target_semaphore(%run_scoped3A : memref<!tpu.dma_semaphore, #tpu.memory_space<semaphore_mem>>)
        %dma_wait3A = tpu.memref_slice %arg2[%add3A_20] : memref<320000xi32, #tpu.memory_space<hbm>> -> memref<80xi32, #tpu.memory_space<hbm>>
        %dma_wait3A_23 = tpu.memref_slice %arg2[%add3A_20] : memref<320000xi32, #tpu.memory_space<hbm>> -> memref<80xi32, #tpu.memory_space<hbm>>
        tpu.wait_dma2 semaphore(%run_scoped3A : memref<!tpu.dma_semaphore, #tpu.memory_space<semaphore_mem>>) src(%dma_wait3A_23 : memref<80xi32, #tpu.memory_space<hbm>>) dst(%arg6 : memref<80xi32, #tpu.memory_space<vmem>>)
        tpu.yield
      }) : () -> ()
      "tpu.region"() ({
        %run_scoped3A = tpu.sem_alloc : memref<!tpu.dma_semaphore, #tpu.memory_space<semaphore_mem>>
        %dma_start3A = arith.constant 0 : i32
        %dma_start3A_22 = arith.constant 0 : i32
        %dma_start3A_23 = tpu.memref_slice %arg8[%dma_start3A, %dma_start3A_22] : memref<10240x16xf32, #tpu.memory_space<vmem_shared>> -> memref<10240x16xf32, #tpu.memory_space<vmem_shared>>
        tpu.enqueue_indirect_dma source(%arg7 : memref<80x16xf32, #tpu.memory_space<vmem>>) target(%dma_start3A_23 : memref<10240x16xf32, #tpu.memory_space<vmem_shared>>) offsets(%arg6 : memref<80xi32, #tpu.memory_space<vmem>>) semaphore(%run_scoped3A : memref<!tpu.dma_semaphore, #tpu.memory_space<semaphore_mem>>) {add = true}
        %dma_wait3A = arith.constant 0 : i32
        %dma_wait3A_24 = arith.constant 0 : i32
        %dma_wait3A_25 = tpu.memref_slice %arg8[%dma_wait3A, %dma_wait3A_24] : memref<10240x16xf32, #tpu.memory_space<vmem_shared>> -> memref<10240x16xf32, #tpu.memory_space<vmem_shared>>
        tpu.wait_indirect_dma semaphore(%run_scoped3A : memref<!tpu.dma_semaphore, #tpu.memory_space<semaphore_mem>>) src(%arg7 : memref<80x16xf32, #tpu.memory_space<vmem>>) dst(%dma_wait3A_25 : memref<10240x16xf32, #tpu.memory_space<vmem_shared>>)
        tpu.yield
      }) : () -> ()
      %scan3A_21 = arith.constant 0 : i32
      scf.yield %scan3A_21 : i32
    }
    %scan3A_10 = arith.constant 125 : i32
    %barrier3A_11 = arith.constant 0 : index
    tpu.barrier barrier_id(%barrier3A_11)
    %mul3A_12 = arith.constant 640 : i32
    %mul3A_13 = arith.muli %arg1, %mul3A_12 : i32
    %mul3A_14 = arith.constant 640 : i32
    %mul3A_15 = arith.muli %arg1, %mul3A_14 : i32
    "tpu.region"() ({
      %run_scoped3A = tpu.sem_alloc : memref<!tpu.dma_semaphore, #tpu.memory_space<semaphore_mem>>
      %dma_start3A = arith.constant 0 : i32
      %dma_start3A_16 = tpu.memref_slice %arg5[%arg0, %mul3A_15, %dma_start3A] : memref<2x10240x16xf32, #tpu.memory_space<hbm>> -> memref<1x640x16xf32, #tpu.memory_space<hbm>>
      %dma_start3A_17 = tpu.memref_squeeze %dma_start3A_16 : memref<1x640x16xf32, #tpu.memory_space<hbm>> -> memref<640x16xf32, #tpu.memory_space<hbm>>
      %dma_start3A_18 = arith.constant 0 : i32
      %dma_start3A_19 = tpu.memref_slice %arg8[%mul3A_13, %dma_start3A_18] : memref<10240x16xf32, #tpu.memory_space<vmem_shared>> -> memref<640x16xf32, #tpu.memory_space<vmem_shared>>
      tpu.enqueue_dma source(%dma_start3A_19 : memref<640x16xf32, #tpu.memory_space<vmem_shared>>) target(%dma_start3A_17 : memref<640x16xf32, #tpu.memory_space<hbm>>) target_semaphore(%run_scoped3A : memref<!tpu.dma_semaphore, #tpu.memory_space<semaphore_mem>>)
      %dma_wait3A = arith.constant 0 : i32
      %dma_wait3A_20 = tpu.memref_slice %arg5[%arg0, %mul3A_15, %dma_wait3A] : memref<2x10240x16xf32, #tpu.memory_space<hbm>> -> memref<1x640x16xf32, #tpu.memory_space<hbm>>
      %dma_wait3A_21 = tpu.memref_squeeze %dma_wait3A_20 : memref<1x640x16xf32, #tpu.memory_space<hbm>> -> memref<640x16xf32, #tpu.memory_space<hbm>>
      %dma_wait3A_22 = arith.constant 0 : i32
      %dma_wait3A_23 = tpu.memref_slice %arg8[%mul3A_13, %dma_wait3A_22] : memref<10240x16xf32, #tpu.memory_space<vmem_shared>> -> memref<640x16xf32, #tpu.memory_space<vmem_shared>>
      tpu.wait_dma2 semaphore(%run_scoped3A : memref<!tpu.dma_semaphore, #tpu.memory_space<semaphore_mem>>) src(%dma_wait3A_23 : memref<640x16xf32, #tpu.memory_space<vmem_shared>>) dst(%dma_wait3A_21 : memref<640x16xf32, #tpu.memory_space<hbm>>)
      tpu.yield
    }) : () -> ()
    return
  }
}

#map = affine_map<(d0, d1) -> (0, 0)>
#map1 = affine_map<(d0, d1) -> (0)>
#map2 = affine_map<(d0, d1) -> (0, 0, 0)>
module attributes {stable_mosaic.version = 14 : i64} {
  func.func @_agg_body(%arg0: i32, %arg1: i32, %arg2: memref<10000x128xf32, #tpu.memory_space<hbm>>, %arg3: memref<320000xi32, #tpu.memory_space<hbm>>, %arg4: memref<320000xi32, #tpu.memory_space<hbm>>, %arg5: memref<2x10240x128xf32, #tpu.memory_space<hbm>>, %arg6: memref<80xi32, #tpu.memory_space<vmem>>, %arg7: memref<80xi32, #tpu.memory_space<vmem>>, %arg8: memref<80x128xf32, #tpu.memory_space<vmem>>, %arg9: memref<128x128xf32, #tpu.memory_space<vmem>>, %arg10: memref<10240x128xf32, #tpu.memory_space<vmem_shared>>, %arg11: memref<!tpu.dma_semaphore, #tpu.memory_space<semaphore_mem>>) attributes {dimension_semantics = [#tpu.dimension_semantics<core_parallel>, #tpu.dimension_semantics<subcore_parallel>], iteration_bounds = array<i64: 2, 16>, scalar_prefetch = 0 : i64, scratch_operands = 6 : i64, tpu.core_type = #tpu.core_type<sc_vector_subcore>, window_params = [{transform_indices = #map}, {transform_indices = #map1}, {transform_indices = #map1}, {transform_indices = #map2}]} {
    %mul3A = arith.constant 2 : i32
    %mul3A_0 = arith.muli %arg1, %mul3A : i32
    %add3A = arith.addi %mul3A_0, %arg0 : i32
    %broadcast_in_dim3A = arith.constant 0.000000e+00 : f32
    %broadcast_in_dim3A_1 = vector.broadcast %broadcast_in_dim3A : f32 to vector<16xf32>
    %scan3A = arith.constant 0 : i32
    %scan3A_2 = arith.constant 0 : i32
    %scan3A_3 = arith.constant 128 : i32
    %scan3A_4 = arith.addi %scan3A_2, %scan3A_3 : i32
    %scan3A_5 = arith.constant 1 : i32
    %scan3A_6 = scf.for %scan3A_42 = %scan3A_2 to %scan3A_4 step %scan3A_5 iter_args(%scan3A_43 = %scan3A) -> (i32)  : i32 {
      %swap3A = arith.index_cast %scan3A_42 : i32 to index
      %swap3A_44 = arith.constant 0 : index
      %swap3A_45 = tpu.vector_load %arg9[%swap3A, %swap3A_44] {strides = array<i32>} : memref<128x128xf32, #tpu.memory_space<vmem>>, vector<1x16xf32>,
      %swap3A_46 = vector.shape_cast %swap3A_45 : vector<1x16xf32> to vector<16xf32>
      %swap3A_47 = vector.shape_cast %broadcast_in_dim3A_1 : vector<16xf32> to vector<1x16xf32>
      tpu.vector_store %arg9[%swap3A, %swap3A_44], %swap3A_47 {strides = array<i32>} : memref<128x128xf32, #tpu.memory_space<vmem>>, vector<1x16xf32>,
      %swap3A_48 = arith.index_cast %scan3A_42 : i32 to index
      %swap3A_49 = arith.constant 16 : index
      %swap3A_50 = tpu.vector_load %arg9[%swap3A_48, %swap3A_49] {strides = array<i32>} : memref<128x128xf32, #tpu.memory_space<vmem>>, vector<1x16xf32>,
      %swap3A_51 = vector.shape_cast %swap3A_50 : vector<1x16xf32> to vector<16xf32>
      %swap3A_52 = vector.shape_cast %broadcast_in_dim3A_1 : vector<16xf32> to vector<1x16xf32>
      tpu.vector_store %arg9[%swap3A_48, %swap3A_49], %swap3A_52 {strides = array<i32>} : memref<128x128xf32, #tpu.memory_space<vmem>>, vector<1x16xf32>,
      %swap3A_53 = arith.index_cast %scan3A_42 : i32 to index
      %swap3A_54 = arith.constant 32 : index
      %swap3A_55 = tpu.vector_load %arg9[%swap3A_53, %swap3A_54] {strides = array<i32>} : memref<128x128xf32, #tpu.memory_space<vmem>>, vector<1x16xf32>,
      %swap3A_56 = vector.shape_cast %swap3A_55 : vector<1x16xf32> to vector<16xf32>
      %swap3A_57 = vector.shape_cast %broadcast_in_dim3A_1 : vector<16xf32> to vector<1x16xf32>
      tpu.vector_store %arg9[%swap3A_53, %swap3A_54], %swap3A_57 {strides = array<i32>} : memref<128x128xf32, #tpu.memory_space<vmem>>, vector<1x16xf32>,
      %swap3A_58 = arith.index_cast %scan3A_42 : i32 to index
      %swap3A_59 = arith.constant 48 : index
      %swap3A_60 = tpu.vector_load %arg9[%swap3A_58, %swap3A_59] {strides = array<i32>} : memref<128x128xf32, #tpu.memory_space<vmem>>, vector<1x16xf32>,
      %swap3A_61 = vector.shape_cast %swap3A_60 : vector<1x16xf32> to vector<16xf32>
      %swap3A_62 = vector.shape_cast %broadcast_in_dim3A_1 : vector<16xf32> to vector<1x16xf32>
      tpu.vector_store %arg9[%swap3A_58, %swap3A_59], %swap3A_62 {strides = array<i32>} : memref<128x128xf32, #tpu.memory_space<vmem>>, vector<1x16xf32>,
      %swap3A_63 = arith.index_cast %scan3A_42 : i32 to index
      %swap3A_64 = arith.constant 64 : index
      %swap3A_65 = tpu.vector_load %arg9[%swap3A_63, %swap3A_64] {strides = array<i32>} : memref<128x128xf32, #tpu.memory_space<vmem>>, vector<1x16xf32>,
      %swap3A_66 = vector.shape_cast %swap3A_65 : vector<1x16xf32> to vector<16xf32>
      %swap3A_67 = vector.shape_cast %broadcast_in_dim3A_1 : vector<16xf32> to vector<1x16xf32>
      tpu.vector_store %arg9[%swap3A_63, %swap3A_64], %swap3A_67 {strides = array<i32>} : memref<128x128xf32, #tpu.memory_space<vmem>>, vector<1x16xf32>,
      %swap3A_68 = arith.index_cast %scan3A_42 : i32 to index
      %swap3A_69 = arith.constant 80 : index
      %swap3A_70 = tpu.vector_load %arg9[%swap3A_68, %swap3A_69] {strides = array<i32>} : memref<128x128xf32, #tpu.memory_space<vmem>>, vector<1x16xf32>,
      %swap3A_71 = vector.shape_cast %swap3A_70 : vector<1x16xf32> to vector<16xf32>
      %swap3A_72 = vector.shape_cast %broadcast_in_dim3A_1 : vector<16xf32> to vector<1x16xf32>
      tpu.vector_store %arg9[%swap3A_68, %swap3A_69], %swap3A_72 {strides = array<i32>} : memref<128x128xf32, #tpu.memory_space<vmem>>, vector<1x16xf32>,
      %swap3A_73 = arith.index_cast %scan3A_42 : i32 to index
      %swap3A_74 = arith.constant 96 : index
      %swap3A_75 = tpu.vector_load %arg9[%swap3A_73, %swap3A_74] {strides = array<i32>} : memref<128x128xf32, #tpu.memory_space<vmem>>, vector<1x16xf32>,
      %swap3A_76 = vector.shape_cast %swap3A_75 : vector<1x16xf32> to vector<16xf32>
      %swap3A_77 = vector.shape_cast %broadcast_in_dim3A_1 : vector<16xf32> to vector<1x16xf32>
      tpu.vector_store %arg9[%swap3A_73, %swap3A_74], %swap3A_77 {strides = array<i32>} : memref<128x128xf32, #tpu.memory_space<vmem>>, vector<1x16xf32>,
      %swap3A_78 = arith.index_cast %scan3A_42 : i32 to index
      %swap3A_79 = arith.constant 112 : index
      %swap3A_80 = tpu.vector_load %arg9[%swap3A_78, %swap3A_79] {strides = array<i32>} : memref<128x128xf32, #tpu.memory_space<vmem>>, vector<1x16xf32>,
      %swap3A_81 = vector.shape_cast %swap3A_80 : vector<1x16xf32> to vector<16xf32>
      %swap3A_82 = vector.shape_cast %broadcast_in_dim3A_1 : vector<16xf32> to vector<1x16xf32>
      tpu.vector_store %arg9[%swap3A_78, %swap3A_79], %swap3A_82 {strides = array<i32>} : memref<128x128xf32, #tpu.memory_space<vmem>>, vector<1x16xf32>,
      %scan3A_83 = arith.constant 0 : i32
      scf.yield %scan3A_83 : i32
    }
    %scan3A_7 = arith.constant 128 : i32
    %mul3A_8 = arith.constant 640 : i32
    %mul3A_9 = arith.muli %arg1, %mul3A_8 : i32
    %add3A_10 = arith.constant 0 : i32
    %add3A_11 = arith.addi %mul3A_9, %add3A_10 : i32
    "tpu.region"() ({
      %run_scoped3A = tpu.sem_alloc : memref<!tpu.dma_semaphore, #tpu.memory_space<semaphore_mem>>
      %dma_start3A = arith.constant 0 : i32
      %dma_start3A_42 = tpu.memref_slice %arg10[%add3A_11, %dma_start3A] : memref<10240x128xf32, #tpu.memory_space<vmem_shared>> -> memref<128x128xf32, #tpu.memory_space<vmem_shared>>
      %dma_start3A_43 = arith.constant 0 : i32
      %dma_start3A_44 = tpu.memref_slice %arg10[%add3A_11, %dma_start3A_43] : memref<10240x128xf32, #tpu.memory_space<vmem_shared>> -> memref<128x128xf32, #tpu.memory_space<vmem_shared>>
      tpu.enqueue_dma source(%arg9 : memref<128x128xf32, #tpu.memory_space<vmem>>) target(%dma_start3A_44 : memref<128x128xf32, #tpu.memory_space<vmem_shared>>) target_semaphore(%run_scoped3A : memref<!tpu.dma_semaphore, #tpu.memory_space<semaphore_mem>>)
      %dma_wait3A = arith.constant 0 : i32
      %dma_wait3A_45 = tpu.memref_slice %arg10[%add3A_11, %dma_wait3A] : memref<10240x128xf32, #tpu.memory_space<vmem_shared>> -> memref<128x128xf32, #tpu.memory_space<vmem_shared>>
      %dma_wait3A_46 = arith.constant 0 : i32
      %dma_wait3A_47 = tpu.memref_slice %arg10[%add3A_11, %dma_wait3A_46] : memref<10240x128xf32, #tpu.memory_space<vmem_shared>> -> memref<128x128xf32, #tpu.memory_space<vmem_shared>>
      tpu.wait_dma2 semaphore(%run_scoped3A : memref<!tpu.dma_semaphore, #tpu.memory_space<semaphore_mem>>) src(%arg9 : memref<128x128xf32, #tpu.memory_space<vmem>>) dst(%dma_wait3A_47 : memref<128x128xf32, #tpu.memory_space<vmem_shared>>)
      tpu.yield
    }) : () -> ()
    %mul3A_12 = arith.constant 640 : i32
    %mul3A_13 = arith.muli %arg1, %mul3A_12 : i32
    %add3A_14 = arith.constant 128 : i32
    %add3A_15 = arith.addi %mul3A_13, %add3A_14 : i32
    "tpu.region"() ({
      %run_scoped3A = tpu.sem_alloc : memref<!tpu.dma_semaphore, #tpu.memory_space<semaphore_mem>>
      %dma_start3A = arith.constant 0 : i32
      %dma_start3A_42 = tpu.memref_slice %arg10[%add3A_15, %dma_start3A] : memref<10240x128xf32, #tpu.memory_space<vmem_shared>> -> memref<128x128xf32, #tpu.memory_space<vmem_shared>>
      %dma_start3A_43 = arith.constant 0 : i32
      %dma_start3A_44 = tpu.memref_slice %arg10[%add3A_15, %dma_start3A_43] : memref<10240x128xf32, #tpu.memory_space<vmem_shared>> -> memref<128x128xf32, #tpu.memory_space<vmem_shared>>
      tpu.enqueue_dma source(%arg9 : memref<128x128xf32, #tpu.memory_space<vmem>>) target(%dma_start3A_44 : memref<128x128xf32, #tpu.memory_space<vmem_shared>>) target_semaphore(%run_scoped3A : memref<!tpu.dma_semaphore, #tpu.memory_space<semaphore_mem>>)
      %dma_wait3A = arith.constant 0 : i32
      %dma_wait3A_45 = tpu.memref_slice %arg10[%add3A_15, %dma_wait3A] : memref<10240x128xf32, #tpu.memory_space<vmem_shared>> -> memref<128x128xf32, #tpu.memory_space<vmem_shared>>
      %dma_wait3A_46 = arith.constant 0 : i32
      %dma_wait3A_47 = tpu.memref_slice %arg10[%add3A_15, %dma_wait3A_46] : memref<10240x128xf32, #tpu.memory_space<vmem_shared>> -> memref<128x128xf32, #tpu.memory_space<vmem_shared>>
      tpu.wait_dma2 semaphore(%run_scoped3A : memref<!tpu.dma_semaphore, #tpu.memory_space<semaphore_mem>>) src(%arg9 : memref<128x128xf32, #tpu.memory_space<vmem>>) dst(%dma_wait3A_47 : memref<128x128xf32, #tpu.memory_space<vmem_shared>>)
      tpu.yield
    }) : () -> ()
    %mul3A_16 = arith.constant 640 : i32
    %mul3A_17 = arith.muli %arg1, %mul3A_16 : i32
    %add3A_18 = arith.constant 256 : i32
    %add3A_19 = arith.addi %mul3A_17, %add3A_18 : i32
    "tpu.region"() ({
      %run_scoped3A = tpu.sem_alloc : memref<!tpu.dma_semaphore, #tpu.memory_space<semaphore_mem>>
      %dma_start3A = arith.constant 0 : i32
      %dma_start3A_42 = tpu.memref_slice %arg10[%add3A_19, %dma_start3A] : memref<10240x128xf32, #tpu.memory_space<vmem_shared>> -> memref<128x128xf32, #tpu.memory_space<vmem_shared>>
      %dma_start3A_43 = arith.constant 0 : i32
      %dma_start3A_44 = tpu.memref_slice %arg10[%add3A_19, %dma_start3A_43] : memref<10240x128xf32, #tpu.memory_space<vmem_shared>> -> memref<128x128xf32, #tpu.memory_space<vmem_shared>>
      tpu.enqueue_dma source(%arg9 : memref<128x128xf32, #tpu.memory_space<vmem>>) target(%dma_start3A_44 : memref<128x128xf32, #tpu.memory_space<vmem_shared>>) target_semaphore(%run_scoped3A : memref<!tpu.dma_semaphore, #tpu.memory_space<semaphore_mem>>)
      %dma_wait3A = arith.constant 0 : i32
      %dma_wait3A_45 = tpu.memref_slice %arg10[%add3A_19, %dma_wait3A] : memref<10240x128xf32, #tpu.memory_space<vmem_shared>> -> memref<128x128xf32, #tpu.memory_space<vmem_shared>>
      %dma_wait3A_46 = arith.constant 0 : i32
      %dma_wait3A_47 = tpu.memref_slice %arg10[%add3A_19, %dma_wait3A_46] : memref<10240x128xf32, #tpu.memory_space<vmem_shared>> -> memref<128x128xf32, #tpu.memory_space<vmem_shared>>
      tpu.wait_dma2 semaphore(%run_scoped3A : memref<!tpu.dma_semaphore, #tpu.memory_space<semaphore_mem>>) src(%arg9 : memref<128x128xf32, #tpu.memory_space<vmem>>) dst(%dma_wait3A_47 : memref<128x128xf32, #tpu.memory_space<vmem_shared>>)
      tpu.yield
    }) : () -> ()
    %mul3A_20 = arith.constant 640 : i32
    %mul3A_21 = arith.muli %arg1, %mul3A_20 : i32
    %add3A_22 = arith.constant 384 : i32
    %add3A_23 = arith.addi %mul3A_21, %add3A_22 : i32
    "tpu.region"() ({
      %run_scoped3A = tpu.sem_alloc : memref<!tpu.dma_semaphore, #tpu.memory_space<semaphore_mem>>
      %dma_start3A = arith.constant 0 : i32
      %dma_start3A_42 = tpu.memref_slice %arg10[%add3A_23, %dma_start3A] : memref<10240x128xf32, #tpu.memory_space<vmem_shared>> -> memref<128x128xf32, #tpu.memory_space<vmem_shared>>
      %dma_start3A_43 = arith.constant 0 : i32
      %dma_start3A_44 = tpu.memref_slice %arg10[%add3A_23, %dma_start3A_43] : memref<10240x128xf32, #tpu.memory_space<vmem_shared>> -> memref<128x128xf32, #tpu.memory_space<vmem_shared>>
      tpu.enqueue_dma source(%arg9 : memref<128x128xf32, #tpu.memory_space<vmem>>) target(%dma_start3A_44 : memref<128x128xf32, #tpu.memory_space<vmem_shared>>) target_semaphore(%run_scoped3A : memref<!tpu.dma_semaphore, #tpu.memory_space<semaphore_mem>>)
      %dma_wait3A = arith.constant 0 : i32
      %dma_wait3A_45 = tpu.memref_slice %arg10[%add3A_23, %dma_wait3A] : memref<10240x128xf32, #tpu.memory_space<vmem_shared>> -> memref<128x128xf32, #tpu.memory_space<vmem_shared>>
      %dma_wait3A_46 = arith.constant 0 : i32
      %dma_wait3A_47 = tpu.memref_slice %arg10[%add3A_23, %dma_wait3A_46] : memref<10240x128xf32, #tpu.memory_space<vmem_shared>> -> memref<128x128xf32, #tpu.memory_space<vmem_shared>>
      tpu.wait_dma2 semaphore(%run_scoped3A : memref<!tpu.dma_semaphore, #tpu.memory_space<semaphore_mem>>) src(%arg9 : memref<128x128xf32, #tpu.memory_space<vmem>>) dst(%dma_wait3A_47 : memref<128x128xf32, #tpu.memory_space<vmem_shared>>)
      tpu.yield
    }) : () -> ()
    %mul3A_24 = arith.constant 640 : i32
    %mul3A_25 = arith.muli %arg1, %mul3A_24 : i32
    %add3A_26 = arith.constant 512 : i32
    %add3A_27 = arith.addi %mul3A_25, %add3A_26 : i32
    "tpu.region"() ({
      %run_scoped3A = tpu.sem_alloc : memref<!tpu.dma_semaphore, #tpu.memory_space<semaphore_mem>>
      %dma_start3A = arith.constant 0 : i32
      %dma_start3A_42 = tpu.memref_slice %arg10[%add3A_27, %dma_start3A] : memref<10240x128xf32, #tpu.memory_space<vmem_shared>> -> memref<128x128xf32, #tpu.memory_space<vmem_shared>>
      %dma_start3A_43 = arith.constant 0 : i32
      %dma_start3A_44 = tpu.memref_slice %arg10[%add3A_27, %dma_start3A_43] : memref<10240x128xf32, #tpu.memory_space<vmem_shared>> -> memref<128x128xf32, #tpu.memory_space<vmem_shared>>
      tpu.enqueue_dma source(%arg9 : memref<128x128xf32, #tpu.memory_space<vmem>>) target(%dma_start3A_44 : memref<128x128xf32, #tpu.memory_space<vmem_shared>>) target_semaphore(%run_scoped3A : memref<!tpu.dma_semaphore, #tpu.memory_space<semaphore_mem>>)
      %dma_wait3A = arith.constant 0 : i32
      %dma_wait3A_45 = tpu.memref_slice %arg10[%add3A_27, %dma_wait3A] : memref<10240x128xf32, #tpu.memory_space<vmem_shared>> -> memref<128x128xf32, #tpu.memory_space<vmem_shared>>
      %dma_wait3A_46 = arith.constant 0 : i32
      %dma_wait3A_47 = tpu.memref_slice %arg10[%add3A_27, %dma_wait3A_46] : memref<10240x128xf32, #tpu.memory_space<vmem_shared>> -> memref<128x128xf32, #tpu.memory_space<vmem_shared>>
      tpu.wait_dma2 semaphore(%run_scoped3A : memref<!tpu.dma_semaphore, #tpu.memory_space<semaphore_mem>>) src(%arg9 : memref<128x128xf32, #tpu.memory_space<vmem>>) dst(%dma_wait3A_47 : memref<128x128xf32, #tpu.memory_space<vmem_shared>>)
      tpu.yield
    }) : () -> ()
    %barrier3A = arith.constant 0 : index
    tpu.barrier barrier_id(%barrier3A)
    %mul3A_28 = arith.constant 10000 : i32
    %mul3A_29 = arith.muli %add3A, %mul3A_28 : i32
    %scan3A_30 = arith.constant 0 : i32
    %scan3A_31 = arith.constant 0 : i32
    %scan3A_32 = arith.constant 125 : i32
    %scan3A_33 = arith.addi %scan3A_31, %scan3A_32 : i32
    %scan3A_34 = arith.constant 1 : i32
    %scan3A_35 = scf.for %scan3A_42 = %scan3A_31 to %scan3A_33 step %scan3A_34 iter_args(%scan3A_43 = %scan3A_30) -> (i32)  : i32 {
      %mul3A_44 = arith.constant 80 : i32
      %mul3A_45 = arith.muli %scan3A_42, %mul3A_44 : i32
      %add3A_46 = arith.addi %mul3A_29, %mul3A_45 : i32
      "tpu.region"() ({
        %run_scoped3A = tpu.sem_alloc : memref<!tpu.dma_semaphore, #tpu.memory_space<semaphore_mem>>
        %dma_start3A_52 = tpu.memref_slice %arg3[%add3A_46] : memref<320000xi32, #tpu.memory_space<hbm>> -> memref<80xi32, #tpu.memory_space<hbm>>
        %dma_start3A_53 = tpu.memref_slice %arg3[%add3A_46] : memref<320000xi32, #tpu.memory_space<hbm>> -> memref<80xi32, #tpu.memory_space<hbm>>
        tpu.enqueue_dma source(%dma_start3A_53 : memref<80xi32, #tpu.memory_space<hbm>>) target(%arg6 : memref<80xi32, #tpu.memory_space<vmem>>) target_semaphore(%run_scoped3A : memref<!tpu.dma_semaphore, #tpu.memory_space<semaphore_mem>>)
        %dma_wait3A_54 = tpu.memref_slice %arg3[%add3A_46] : memref<320000xi32, #tpu.memory_space<hbm>> -> memref<80xi32, #tpu.memory_space<hbm>>
        %dma_wait3A_55 = tpu.memref_slice %arg3[%add3A_46] : memref<320000xi32, #tpu.memory_space<hbm>> -> memref<80xi32, #tpu.memory_space<hbm>>
        tpu.wait_dma2 semaphore(%run_scoped3A : memref<!tpu.dma_semaphore, #tpu.memory_space<semaphore_mem>>) src(%dma_wait3A_55 : memref<80xi32, #tpu.memory_space<hbm>>) dst(%arg6 : memref<80xi32, #tpu.memory_space<vmem>>)
        tpu.yield
      }) : () -> ()
      "tpu.region"() ({
        %run_scoped3A = tpu.sem_alloc : memref<!tpu.dma_semaphore, #tpu.memory_space<semaphore_mem>>
        %dma_start3A_52 = tpu.memref_slice %arg4[%add3A_46] : memref<320000xi32, #tpu.memory_space<hbm>> -> memref<80xi32, #tpu.memory_space<hbm>>
        %dma_start3A_53 = tpu.memref_slice %arg4[%add3A_46] : memref<320000xi32, #tpu.memory_space<hbm>> -> memref<80xi32, #tpu.memory_space<hbm>>
        tpu.enqueue_dma source(%dma_start3A_53 : memref<80xi32, #tpu.memory_space<hbm>>) target(%arg7 : memref<80xi32, #tpu.memory_space<vmem>>) target_semaphore(%run_scoped3A : memref<!tpu.dma_semaphore, #tpu.memory_space<semaphore_mem>>)
        %dma_wait3A_54 = tpu.memref_slice %arg4[%add3A_46] : memref<320000xi32, #tpu.memory_space<hbm>> -> memref<80xi32, #tpu.memory_space<hbm>>
        %dma_wait3A_55 = tpu.memref_slice %arg4[%add3A_46] : memref<320000xi32, #tpu.memory_space<hbm>> -> memref<80xi32, #tpu.memory_space<hbm>>
        tpu.wait_dma2 semaphore(%run_scoped3A : memref<!tpu.dma_semaphore, #tpu.memory_space<semaphore_mem>>) src(%dma_wait3A_55 : memref<80xi32, #tpu.memory_space<hbm>>) dst(%arg7 : memref<80xi32, #tpu.memory_space<vmem>>)
        tpu.yield
      }) : () -> ()
      %dma_start3A = arith.constant 0 : i32
      %dma_start3A_47 = arith.constant 0 : i32
      %dma_start3A_48 = tpu.memref_slice %arg2[%dma_start3A, %dma_start3A_47] : memref<10000x128xf32, #tpu.memory_space<hbm>> -> memref<10000x128xf32, #tpu.memory_space<hbm>>
      tpu.enqueue_indirect_dma source(%dma_start3A_48 : memref<10000x128xf32, #tpu.memory_space<hbm>>) target(%arg8 : memref<80x128xf32, #tpu.memory_space<vmem>>) offsets(%arg6 : memref<80xi32, #tpu.memory_space<vmem>>) semaphore(%arg11 : memref<!tpu.dma_semaphore, #tpu.memory_space<semaphore_mem>>)
      %dma_wait3A = arith.constant 0 : i32
      %dma_wait3A_49 = arith.constant 0 : i32
      %dma_wait3A_50 = tpu.memref_slice %arg2[%dma_wait3A, %dma_wait3A_49] : memref<10000x128xf32, #tpu.memory_space<hbm>> -> memref<10000x128xf32, #tpu.memory_space<hbm>>
      tpu.wait_indirect_dma semaphore(%arg11 : memref<!tpu.dma_semaphore, #tpu.memory_space<semaphore_mem>>) src(%dma_wait3A_50 : memref<10000x128xf32, #tpu.memory_space<hbm>>) dst(%arg8 : memref<80x128xf32, #tpu.memory_space<vmem>>)
      "tpu.region"() ({
        %run_scoped3A = tpu.sem_alloc : memref<!tpu.dma_semaphore, #tpu.memory_space<semaphore_mem>>
        %dma_start3A_52 = arith.constant 0 : i32
        %dma_start3A_53 = arith.constant 0 : i32
        %dma_start3A_54 = tpu.memref_slice %arg10[%dma_start3A_52, %dma_start3A_53] : memref<10240x128xf32, #tpu.memory_space<vmem_shared>> -> memref<10240x128xf32, #tpu.memory_space<vmem_shared>>
        tpu.enqueue_indirect_dma source(%arg8 : memref<80x128xf32, #tpu.memory_space<vmem>>) target(%dma_start3A_54 : memref<10240x128xf32, #tpu.memory_space<vmem_shared>>) offsets(%arg7 : memref<80xi32, #tpu.memory_space<vmem>>) semaphore(%run_scoped3A : memref<!tpu.dma_semaphore, #tpu.memory_space<semaphore_mem>>) {add = true}
        %dma_wait3A_55 = arith.constant 0 : i32
        %dma_wait3A_56 = arith.constant 0 : i32
        %dma_wait3A_57 = tpu.memref_slice %arg10[%dma_wait3A_55, %dma_wait3A_56] : memref<10240x128xf32, #tpu.memory_space<vmem_shared>> -> memref<10240x128xf32, #tpu.memory_space<vmem_shared>>
        tpu.wait_indirect_dma semaphore(%run_scoped3A : memref<!tpu.dma_semaphore, #tpu.memory_space<semaphore_mem>>) src(%arg8 : memref<80x128xf32, #tpu.memory_space<vmem>>) dst(%dma_wait3A_57 : memref<10240x128xf32, #tpu.memory_space<vmem_shared>>)
        tpu.yield
      }) : () -> ()
      %scan3A_51 = arith.constant 0 : i32
      scf.yield %scan3A_51 : i32
    }
    %scan3A_36 = arith.constant 125 : i32
    %barrier3A_37 = arith.constant 0 : index
    tpu.barrier barrier_id(%barrier3A_37)
    %mul3A_38 = arith.constant 640 : i32
    %mul3A_39 = arith.muli %arg1, %mul3A_38 : i32
    %mul3A_40 = arith.constant 640 : i32
    %mul3A_41 = arith.muli %arg1, %mul3A_40 : i32
    "tpu.region"() ({
      %run_scoped3A = tpu.sem_alloc : memref<!tpu.dma_semaphore, #tpu.memory_space<semaphore_mem>>
      %dma_start3A = arith.constant 0 : i32
      %dma_start3A_42 = tpu.memref_slice %arg5[%arg0, %mul3A_41, %dma_start3A] : memref<2x10240x128xf32, #tpu.memory_space<hbm>> -> memref<1x640x128xf32, #tpu.memory_space<hbm>>
      %dma_start3A_43 = tpu.memref_squeeze %dma_start3A_42 : memref<1x640x128xf32, #tpu.memory_space<hbm>> -> memref<640x128xf32, #tpu.memory_space<hbm>>
      %dma_start3A_44 = arith.constant 0 : i32
      %dma_start3A_45 = tpu.memref_slice %arg10[%mul3A_39, %dma_start3A_44] : memref<10240x128xf32, #tpu.memory_space<vmem_shared>> -> memref<640x128xf32, #tpu.memory_space<vmem_shared>>
      tpu.enqueue_dma source(%dma_start3A_45 : memref<640x128xf32, #tpu.memory_space<vmem_shared>>) target(%dma_start3A_43 : memref<640x128xf32, #tpu.memory_space<hbm>>) target_semaphore(%run_scoped3A : memref<!tpu.dma_semaphore, #tpu.memory_space<semaphore_mem>>)
      %dma_wait3A = arith.constant 0 : i32
      %dma_wait3A_46 = tpu.memref_slice %arg5[%arg0, %mul3A_41, %dma_wait3A] : memref<2x10240x128xf32, #tpu.memory_space<hbm>> -> memref<1x640x128xf32, #tpu.memory_space<hbm>>
      %dma_wait3A_47 = tpu.memref_squeeze %dma_wait3A_46 : memref<1x640x128xf32, #tpu.memory_space<hbm>> -> memref<640x128xf32, #tpu.memory_space<hbm>>
      %dma_wait3A_48 = arith.constant 0 : i32
      %dma_wait3A_49 = tpu.memref_slice %arg10[%mul3A_39, %dma_wait3A_48] : memref<10240x128xf32, #tpu.memory_space<vmem_shared>> -> memref<640x128xf32, #tpu.memory_space<vmem_shared>>
      tpu.wait_dma2 semaphore(%run_scoped3A : memref<!tpu.dma_semaphore, #tpu.memory_space<semaphore_mem>>) src(%dma_wait3A_49 : memref<640x128xf32, #tpu.memory_space<vmem_shared>>) dst(%dma_wait3A_47 : memref<640x128xf32, #tpu.memory_space<hbm>>)
      tpu.yield
    }) : () -> ()
    return
  }
}

module attributes {stable_mosaic.version = 14 : i64} {
  func.func @_dinv_body(%arg0: memref<2x10240x16xf32, #tpu.memory_space<vmem>>, %arg1: memref<10000x1xf32, #tpu.memory_space<vmem>>) attributes {dimension_semantics = [], scalar_prefetch = 0 : i64, scratch_operands = 0 : i64, tpu.core_type = #tpu.core_type<tc>} {
    %get3A = arith.constant 0 : index
    %get3A_0 = arith.constant 0 : index
    %get3A_1 = arith.constant 0 : index
    %get3A_2 = vector.load %arg0[%get3A, %get3A_0, %get3A_1] : memref<2x10240x16xf32, #tpu.memory_space<vmem>>, vector<1x10000x1xf32>
    %get3A_3 = vector.shape_cast %get3A_2 : vector<1x10000x1xf32> to vector<10000x1xf32>
    %get3A_4 = arith.constant 1 : index
    %get3A_5 = arith.constant 0 : index
    %get3A_6 = arith.constant 0 : index
    %get3A_7 = vector.load %arg0[%get3A_4, %get3A_5, %get3A_6] : memref<2x10240x16xf32, #tpu.memory_space<vmem>>, vector<1x10000x1xf32>
    %get3A_8 = vector.shape_cast %get3A_7 : vector<1x10000x1xf32> to vector<10000x1xf32>
    %add3A = arith.addf %get3A_3, %get3A_8 : vector<10000x1xf32>
    %add3A_9 = arith.constant 1.000000e+00 : f32
    %add3A_10 = vector.broadcast %add3A_9 : f32 to vector<10000x1xf32>
    %add3A_11 = arith.addf %add3A, %add3A_10 : vector<10000x1xf32>
    %rsqrt3A = math.rsqrt %add3A_11 : vector<10000x1xf32>
    %swap3A = arith.constant 0 : index
    %swap3A_12 = arith.constant 0 : index
    %swap3A_13 = vector.load %arg1[%swap3A, %swap3A_12] : memref<10000x1xf32, #tpu.memory_space<vmem>>, vector<10000x1xf32>
    tpu.vector_store %arg1[%swap3A, %swap3A_12], %rsqrt3A {strides = array<i32>} : memref<10000x1xf32, #tpu.memory_space<vmem>>, vector<10000x1xf32>,
    return
  }
}

module attributes {stable_mosaic.version = 14 : i64} {
  func.func @_pre_body(%arg0: i32, %arg1: memref<1000x128xf32, #tpu.memory_space<vmem>>, %arg2: memref<128x128xf32, #tpu.memory_space<vmem>>, %arg3: memref<1000x1xf32, #tpu.memory_space<vmem>>, %arg4: memref<1000x128xf32, #tpu.memory_space<vmem>>) attributes {dimension_semantics = [#tpu.dimension_semantics<arbitrary>], iteration_bounds = array<i64: 10>, scalar_prefetch = 0 : i64, scratch_operands = 0 : i64, tpu.core_type = #tpu.core_type<tc>, window_params = [{transform_indices = @transform_0, window_bounds = array<i64: 1000, 128>}, {pipeline_mode = #tpu.pipeline_mode<synchronous>, transform_indices = @transform_1, window_bounds = array<i64: 128, 128>}, {transform_indices = @transform_2, window_bounds = array<i64: 1000, 1>}, {transform_indices = @transform_3, window_bounds = array<i64: 1000, 128>}]} {
    %get3A = arith.constant 0 : index
    %get3A_0 = arith.constant 0 : index
    %get3A_1 = vector.load %arg1[%get3A, %get3A_0] : memref<1000x128xf32, #tpu.memory_space<vmem>>, vector<1000x128xf32>
    %get3A_2 = arith.constant 0 : index
    %get3A_3 = arith.constant 0 : index
    %get3A_4 = vector.load %arg2[%get3A_2, %get3A_3] : memref<128x128xf32, #tpu.memory_space<vmem>>, vector<128x128xf32>
    %dot_general3A = arith.constant dense<0.000000e+00> : vector<1000x128xf32>
    %dot_general3A_5 = tpu.matmul %get3A_1, %get3A_4, %dot_general3A {dimension_numbers = #tpu.dot_dimension_numbers<[1], [0], [0], [1], [0, 0, 1, 1], [], []>, transpose_lhs_hint = false} : vector<1000x128xf32>, vector<128x128xf32>, vector<1000x128xf32> -> vector<1000x128xf32>
    %get3A_6 = arith.constant 0 : index
    %get3A_7 = arith.constant 0 : index
    %get3A_8 = vector.load %arg3[%get3A_6, %get3A_7] : memref<1000x1xf32, #tpu.memory_space<vmem>>, vector<1000x1xf32>
    %mul3A = vector.broadcast %get3A_8 : vector<1000x1xf32> to vector<1000x128xf32>
    %mul3A_9 = arith.mulf %dot_general3A_5, %mul3A : vector<1000x128xf32>
    %swap3A = arith.constant 0 : index
    %swap3A_10 = arith.constant 0 : index
    %swap3A_11 = vector.load %arg4[%swap3A, %swap3A_10] : memref<1000x128xf32, #tpu.memory_space<vmem>>, vector<1000x128xf32>
    tpu.vector_store %arg4[%swap3A, %swap3A_10], %mul3A_9 {strides = array<i32>} : memref<1000x128xf32, #tpu.memory_space<vmem>>, vector<1000x128xf32>,
    return
  }
  func.func @transform_0(%arg0: i32) -> (i32, i32) {
    %c0_i32 = arith.constant 0 : i32
    %c0_i32_0 = arith.constant 0 : i32
    return %arg0, %c0_i32 : i32, i32
  }
  func.func @transform_1(%arg0: i32) -> (i32, i32) {
    %c0_i32 = arith.constant 0 : i32
    %c0_i32_0 = arith.constant 0 : i32
    %c0_i32_1 = arith.constant 0 : i32
    return %c0_i32, %c0_i32_0 : i32, i32
  }
  func.func @transform_2(%arg0: i32) -> (i32, i32) {
    %c0_i32 = arith.constant 0 : i32
    %c0_i32_0 = arith.constant 0 : i32
    return %arg0, %c0_i32 : i32, i32
  }
  func.func @transform_3(%arg0: i32) -> (i32, i32) {
    %c0_i32 = arith.constant 0 : i32
    %c0_i32_0 = arith.constant 0 : i32
    return %arg0, %c0_i32 : i32, i32
  }
}

module attributes {stable_mosaic.version = 14 : i64} {
  func.func @_layer_body(%arg0: i32, %arg1: memref<2x1000x128xf32, #tpu.memory_space<vmem>>, %arg2: memref<1000x128xf32, #tpu.memory_space<vmem>>, %arg3: memref<1000x1xf32, #tpu.memory_space<vmem>>, %arg4: memref<128xf32, #tpu.memory_space<vmem>>, %arg5: memref<128x128xf32, #tpu.memory_space<vmem>>, %arg6: memref<1000x128xf32, #tpu.memory_space<vmem>>) attributes {dimension_semantics = [#tpu.dimension_semantics<arbitrary>], iteration_bounds = array<i64: 10>, scalar_prefetch = 0 : i64, scratch_operands = 0 : i64, tpu.core_type = #tpu.core_type<tc>, window_params = [{transform_indices = @transform_0, window_bounds = array<i64: 2, 1000, 128>}, {transform_indices = @transform_1, window_bounds = array<i64: 1000, 128>}, {transform_indices = @transform_2, window_bounds = array<i64: 1000, 1>}, {pipeline_mode = #tpu.pipeline_mode<synchronous>, transform_indices = @transform_3, window_bounds = array<i64: 128>}, {pipeline_mode = #tpu.pipeline_mode<synchronous>, transform_indices = @transform_4, window_bounds = array<i64: 128, 128>}, {transform_indices = @transform_5, window_bounds = array<i64: 1000, 128>}]} {
    %get3A = arith.constant 0 : index
    %get3A_0 = arith.constant 0 : index
    %get3A_1 = arith.constant 0 : index
    %get3A_2 = vector.load %arg1[%get3A, %get3A_0, %get3A_1] : memref<2x1000x128xf32, #tpu.memory_space<vmem>>, vector<1x1000x128xf32>
    %get3A_3 = vector.shape_cast %get3A_2 : vector<1x1000x128xf32> to vector<1000x128xf32>
    %get3A_4 = arith.constant 1 : index
    %get3A_5 = arith.constant 0 : index
    %get3A_6 = arith.constant 0 : index
    %get3A_7 = vector.load %arg1[%get3A_4, %get3A_5, %get3A_6] : memref<2x1000x128xf32, #tpu.memory_space<vmem>>, vector<1x1000x128xf32>
    %get3A_8 = vector.shape_cast %get3A_7 : vector<1x1000x128xf32> to vector<1000x128xf32>
    %add3A = arith.addf %get3A_3, %get3A_8 : vector<1000x128xf32>
    %get3A_9 = arith.constant 0 : index
    %get3A_10 = arith.constant 0 : index
    %get3A_11 = vector.load %arg2[%get3A_9, %get3A_10] : memref<1000x128xf32, #tpu.memory_space<vmem>>, vector<1000x128xf32>
    %add3A_12 = arith.addf %add3A, %get3A_11 : vector<1000x128xf32>
    %get3A_13 = arith.constant 0 : index
    %get3A_14 = arith.constant 0 : index
    %get3A_15 = vector.load %arg3[%get3A_13, %get3A_14] : memref<1000x1xf32, #tpu.memory_space<vmem>>, vector<1000x1xf32>
    %mul3A = vector.broadcast %get3A_15 : vector<1000x1xf32> to vector<1000x128xf32>
    %mul3A_16 = arith.mulf %add3A_12, %mul3A : vector<1000x128xf32>
    %get3A_17 = arith.constant 0 : index
    %get3A_18 = vector.load %arg4[%get3A_17] : memref<128xf32, #tpu.memory_space<vmem>>, vector<128xf32>
    %broadcast_in_dim3A = vector.shape_cast %get3A_18 : vector<128xf32> to vector<1x128xf32>
    %add3A_19 = vector.broadcast %broadcast_in_dim3A : vector<1x128xf32> to vector<1000x128xf32>
    %add3A_20 = arith.addf %mul3A_16, %add3A_19 : vector<1000x128xf32>
    %max3A = arith.constant 0.000000e+00 : f32
    %max3A_21 = vector.broadcast %max3A : f32 to vector<1000x128xf32>
    %max3A_22 = arith.maximumf %add3A_20, %max3A_21 : vector<1000x128xf32>
    %get3A_23 = arith.constant 0 : index
    %get3A_24 = arith.constant 0 : index
    %get3A_25 = vector.load %arg5[%get3A_23, %get3A_24] : memref<128x128xf32, #tpu.memory_space<vmem>>, vector<128x128xf32>
    %dot_general3A = arith.constant dense<0.000000e+00> : vector<1000x128xf32>
    %dot_general3A_26 = tpu.matmul %max3A_22, %get3A_25, %dot_general3A {dimension_numbers = #tpu.dot_dimension_numbers<[1], [0], [0], [1], [0, 0, 1, 1], [], []>, transpose_lhs_hint = false} : vector<1000x128xf32>, vector<128x128xf32>, vector<1000x128xf32> -> vector<1000x128xf32>
    %get3A_27 = arith.constant 0 : index
    %get3A_28 = arith.constant 0 : index
    %get3A_29 = vector.load %arg3[%get3A_27, %get3A_28] : memref<1000x1xf32, #tpu.memory_space<vmem>>, vector<1000x1xf32>
    %mul3A_30 = vector.broadcast %get3A_29 : vector<1000x1xf32> to vector<1000x128xf32>
    %mul3A_31 = arith.mulf %dot_general3A_26, %mul3A_30 : vector<1000x128xf32>
    %swap3A = arith.constant 0 : index
    %swap3A_32 = arith.constant 0 : index
    %swap3A_33 = vector.load %arg6[%swap3A, %swap3A_32] : memref<1000x128xf32, #tpu.memory_space<vmem>>, vector<1000x128xf32>
    tpu.vector_store %arg6[%swap3A, %swap3A_32], %mul3A_31 {strides = array<i32>} : memref<1000x128xf32, #tpu.memory_space<vmem>>, vector<1000x128xf32>,
    return
  }
  func.func @transform_0(%arg0: i32) -> (i32, i32, i32) {
    %c0_i32 = arith.constant 0 : i32
    %c0_i32_0 = arith.constant 0 : i32
    %c0_i32_1 = arith.constant 0 : i32
    return %c0_i32, %arg0, %c0_i32_0 : i32, i32, i32
  }
  func.func @transform_1(%arg0: i32) -> (i32, i32) {
    %c0_i32 = arith.constant 0 : i32
    %c0_i32_0 = arith.constant 0 : i32
    return %arg0, %c0_i32 : i32, i32
  }
  func.func @transform_2(%arg0: i32) -> (i32, i32) {
    %c0_i32 = arith.constant 0 : i32
    %c0_i32_0 = arith.constant 0 : i32
    return %arg0, %c0_i32 : i32, i32
  }
  func.func @transform_3(%arg0: i32) -> i32 {
    %c0_i32 = arith.constant 0 : i32
    %c0_i32_0 = arith.constant 0 : i32
    return %c0_i32 : i32
  }
  func.func @transform_4(%arg0: i32) -> (i32, i32) {
    %c0_i32 = arith.constant 0 : i32
    %c0_i32_0 = arith.constant 0 : i32
    %c0_i32_1 = arith.constant 0 : i32
    return %c0_i32, %c0_i32_0 : i32, i32
  }
  func.func @transform_5(%arg0: i32) -> (i32, i32) {
    %c0_i32 = arith.constant 0 : i32
    %c0_i32_0 = arith.constant 0 : i32
    return %arg0, %c0_i32 : i32, i32
  }
}

module attributes {stable_mosaic.version = 14 : i64} {
  func.func @_post_body(%arg0: i32, %arg1: memref<2x1000x128xf32, #tpu.memory_space<vmem>>, %arg2: memref<1000x128xf32, #tpu.memory_space<vmem>>, %arg3: memref<1000x1xf32, #tpu.memory_space<vmem>>, %arg4: memref<128xf32, #tpu.memory_space<vmem>>, %arg5: memref<1000x128xf32, #tpu.memory_space<vmem>>) attributes {dimension_semantics = [#tpu.dimension_semantics<arbitrary>], iteration_bounds = array<i64: 10>, scalar_prefetch = 0 : i64, scratch_operands = 0 : i64, tpu.core_type = #tpu.core_type<tc>, window_params = [{transform_indices = @transform_0, window_bounds = array<i64: 2, 1000, 128>}, {transform_indices = @transform_1, window_bounds = array<i64: 1000, 128>}, {transform_indices = @transform_2, window_bounds = array<i64: 1000, 1>}, {pipeline_mode = #tpu.pipeline_mode<synchronous>, transform_indices = @transform_3, window_bounds = array<i64: 128>}, {transform_indices = @transform_4, window_bounds = array<i64: 1000, 128>}]} {
    %get3A = arith.constant 0 : index
    %get3A_0 = arith.constant 0 : index
    %get3A_1 = arith.constant 0 : index
    %get3A_2 = vector.load %arg1[%get3A, %get3A_0, %get3A_1] : memref<2x1000x128xf32, #tpu.memory_space<vmem>>, vector<1x1000x128xf32>
    %get3A_3 = vector.shape_cast %get3A_2 : vector<1x1000x128xf32> to vector<1000x128xf32>
    %get3A_4 = arith.constant 1 : index
    %get3A_5 = arith.constant 0 : index
    %get3A_6 = arith.constant 0 : index
    %get3A_7 = vector.load %arg1[%get3A_4, %get3A_5, %get3A_6] : memref<2x1000x128xf32, #tpu.memory_space<vmem>>, vector<1x1000x128xf32>
    %get3A_8 = vector.shape_cast %get3A_7 : vector<1x1000x128xf32> to vector<1000x128xf32>
    %add3A = arith.addf %get3A_3, %get3A_8 : vector<1000x128xf32>
    %get3A_9 = arith.constant 0 : index
    %get3A_10 = arith.constant 0 : index
    %get3A_11 = vector.load %arg2[%get3A_9, %get3A_10] : memref<1000x128xf32, #tpu.memory_space<vmem>>, vector<1000x128xf32>
    %add3A_12 = arith.addf %add3A, %get3A_11 : vector<1000x128xf32>
    %get3A_13 = arith.constant 0 : index
    %get3A_14 = arith.constant 0 : index
    %get3A_15 = vector.load %arg3[%get3A_13, %get3A_14] : memref<1000x1xf32, #tpu.memory_space<vmem>>, vector<1000x1xf32>
    %mul3A = vector.broadcast %get3A_15 : vector<1000x1xf32> to vector<1000x128xf32>
    %mul3A_16 = arith.mulf %add3A_12, %mul3A : vector<1000x128xf32>
    %get3A_17 = arith.constant 0 : index
    %get3A_18 = vector.load %arg4[%get3A_17] : memref<128xf32, #tpu.memory_space<vmem>>, vector<128xf32>
    %broadcast_in_dim3A = vector.shape_cast %get3A_18 : vector<128xf32> to vector<1x128xf32>
    %add3A_19 = vector.broadcast %broadcast_in_dim3A : vector<1x128xf32> to vector<1000x128xf32>
    %add3A_20 = arith.addf %mul3A_16, %add3A_19 : vector<1000x128xf32>
    %swap3A = arith.constant 0 : index
    %swap3A_21 = arith.constant 0 : index
    %swap3A_22 = vector.load %arg5[%swap3A, %swap3A_21] : memref<1000x128xf32, #tpu.memory_space<vmem>>, vector<1000x128xf32>
    tpu.vector_store %arg5[%swap3A, %swap3A_21], %add3A_20 {strides = array<i32>} : memref<1000x128xf32, #tpu.memory_space<vmem>>, vector<1000x128xf32>,
    return
  }
  func.func @transform_0(%arg0: i32) -> (i32, i32, i32) {
    %c0_i32 = arith.constant 0 : i32
    %c0_i32_0 = arith.constant 0 : i32
    %c0_i32_1 = arith.constant 0 : i32
    return %c0_i32, %arg0, %c0_i32_0 : i32, i32, i32
  }
  func.func @transform_1(%arg0: i32) -> (i32, i32) {
    %c0_i32 = arith.constant 0 : i32
    %c0_i32_0 = arith.constant 0 : i32
    return %arg0, %c0_i32 : i32, i32
  }
  func.func @transform_2(%arg0: i32) -> (i32, i32) {
    %c0_i32 = arith.constant 0 : i32
    %c0_i32_0 = arith.constant 0 : i32
    return %arg0, %c0_i32 : i32, i32
  }
  func.func @transform_3(%arg0: i32) -> i32 {
    %c0_i32 = arith.constant 0 : i32
    %c0_i32_0 = arith.constant 0 : i32
    return %c0_i32 : i32
  }
  func.func @transform_4(%arg0: i32) -> (i32, i32) {
    %c0_i32 = arith.constant 0 : i32
    %c0_i32_0 = arith.constant 0 : i32
    return %arg0, %c0_i32 : i32, i32
  }
}

</mosaic_0001>

<sc_bundles>
// kernel: kernel.11.cloned.1.call-start
scs
__scs_entry_jumppad:
0x0: {  	(pc) =	sbr.rel $0x88, $3  }
0x1: {  	(tag) =	ssettag $0x0;
	lr =	simm.s32 $0x1  }
0x2: {  	[smem:$0x3F99] =	sst lr;
	_ =	strace $0xD0000000  }
0x3: {  	_ = 	snop  }
0x4: {  	_ = 	snop  }
0x5: {  	_ = 	snop  }
0x6: {  	_ = 	snop  }
0x7: {  	_ = 	snop  }
__scs_overlays_trampoline_lowered:
0x8: {  	[smem:$0x3FA8] =	sst s0  }
0x9: {  	[smem:$0x3FA9] =	sst s1  }
0xa: {  	[smem:$0x3FAA] =	sst s2  }
0xb: {  	[smem:$0x3FAB] =	sst s3  }
0xc: {  	[smem:$0x3FAC] =	sst s4  }
0xd: {  	[smem:$0x3FAD] =	sst s5  }
0xe: {  	[smem:$0x3FAE] =	sst s6  }
0xf: {  	[smem:$0x3FAF] =	sst s7  }
0x10: {  	[smem:$0x3FB0] =	sst s8  }
0x11: {  	[smem:$0x3FB1] =	sst s9;
	s0 =	simm.s32 @!p0 $0x0  }
0x12: {  	s1 =	sld [smem:$0x3F97];
	s0 =	simm.s32 @p0 $0x1  }
0x13: {  	[smem:$0x3FB2] =	sst s0;
	s0 =	simm.s32 @!p1 $0x0  }
0x14: {  	s2 =	sld [smem:$0x3F96];
	s0 =	simm.s32 @p1 $0x1  }
0x15: {  	[smem:$0x3FB3] =	sst s0;
	s0 =	simm.s32 @!p2 $0x0  }
0x16: {  	s3 =	sld [smem:$0x3FDB];
	s0 =	simm.s32 @p2 $0x1  }
0x17: {  	s4 =	simm.s32 $0x1BF5;
	[smem:$0x3FB5] =	sst s0  }
0x18: {  	s0 =	sld [smem:$0x3F98];
	_ =	swait.ge [sflag:s4], $0x0  }
0x19: {  	s7 =	sld [smem:$0x3F99]  }
0x1a: {  	s8 =	sadd.s32 $0xFFFFE003, lr  }
0x1b: {  	s9 =	sadd.s32 $0xFFFFFEF7, lr;
	s5 =	simm.s32 $0xFFFFFFFF;
	p2 =	slt.u32 s8, $0xFFFFF086  }
0x1c: {  	p1 =	slt.u32 s9, $0xF7A;
	s5 =	simm.s32 @!p2 $0x0  }
0x1d: {  	s5 =	simm.s32 @p1 $0x1;
	p0 =	seq.s32 s7, s2  }
0x1e: {  	s7 =	smul.u32 @!p0 $0xF7A, s2;
	p2 =	seq.s32 @!p0 s5, $0x0  }
0x1f: {  	s9 =	smul.u32 $0xF7A, s1;
	s8 =	simm.s32 @!p0 $0x1BF5;
	p2 =	por !p2, p0  }
0x20: {  	[sflag:s8] =	ssyncset.s32 @!p0 $0xFFFFF086;
	s6 =	sadd.s32 @!p0 s3, s7;
	s7 =	simm.s32 @!p0 $0x108  }
0x21: {  	s3 =	sadd.s32 s3, s9;
	s6 =	sadd.s32 @!p0 $0x88, s6;
	s7 =	simm.s32 @p2 $0x1082  }
0x22: {  	[simem:s7], [sflag:s8] =	dma.local @!p0 [hbm:s6], $0xF7A  }
0x23: {  	s9 =	sor.u32 $0xD0000000, s2;
	s6 =	simm.s32 $0x108;
	_ =	swait.ge @!p0 [sflag:s8], $0x0  }
0x24: {  	s3 =	sadd.s32 $0x88, s3;
	s6 =	simm.s32 @!p1 $0x1082;
	[sflag:s4] =	ssyncset.s32 $0xFFFFF086  }
0x25: {  	[simem:s6], [sflag:s4] =	dma.local [hbm:s3], $0xF7A  }
0x26: {  	[smem:$0x3F99] =	sst s1;
	(tag) =	ssettag s2;
	_ =	strace s9  }
0x27: {  	s1 =	sld [smem:$0x3FA9]  }
0x28: {  	s2 =	sld [smem:$0x3FAA]  }
0x29: {  	s4 =	sld [smem:$0x3FAC]  }
0x2a: {  	p0 =	seq.s32 s5, $0x0;
	s5 =	sld [smem:$0x3FAD]  }
0x2b: {  	s6 =	sld [smem:$0x3FAE]  }
0x2c: {  	s7 =	sld [smem:$0x3FAF]  }
0x2d: {  	s3 =	simm.s32 $0x108;
	s8 =	sld [smem:$0x3FB0]  }
0x2e: {  	s3 =	simm.s32 @!p0 $0x1082;
	s9 =	sld [smem:$0x3FB1]  }
0x2f: {  	lr =	sadd.s32 s0, s3;
	s0 =	sld [smem:$0x3FA8]  }
0x30: {  	s3 =	sld [smem:$0x3FAB]  }
0x31: {  	[smem:$0x3FB4] =	sst s10  }
0x32: {  	s10 =	sld [smem:$0x3FB2];
	_ =	sdelay $0x3  }
0x33: {  	p0 =	seq.s32 s10, $0x1;
	s10 =	sld [smem:$0x3FB4];
	_ =	sdelay $0x3  }
0x34: {  	[smem:$0x3FB4] =	sst s10  }
0x35: {  	s10 =	sld [smem:$0x3FB3];
	_ =	sdelay $0x3  }
0x36: {  	p1 =	seq.s32 s10, $0x1;
	s10 =	sld [smem:$0x3FB4];
	_ =	sdelay $0x3  }
0x37: {  	[smem:$0x3FB4] =	sst s10  }
0x38: {  	s10 =	sld [smem:$0x3FB5]  }
0x39: {  	_ = 	snop;
	(pc) =	sbr.ind lr, $3  }
0x3a: {  	_ = 	snop  }
0x3b: {  	_ = 	snop  }
0x3c: {  	p2 =	seq.s32 s10, $0x1;
	s10 =	sld [smem:$0x3FB4]  }
0x3d: {  	_ =	shalt  }
0x3e: {  	_ =	shalt  }
0x3f: {  	_ =	shalt  }
0x40: {  	_ =	shalt  }
0x41: {  	_ =	shalt  }
0x42: {  	_ =	shalt  }
0x43: {  	_ =	shalt  }
0x44: {  	_ =	shalt  }
0x45: {  	_ =	shalt  }
0x46: {  	_ =	shalt  }
0x47: {  	_ =	shalt  }
0x48: {  	_ =	shalt  }
0x49: {  	_ =	shalt  }
0x4a: {  	_ =	shalt  }
0x4b: {  	_ =	shalt  }
0x4c: {  	_ =	shalt  }
0x4d: {  	_ =	shalt  }
0x4e: {  	_ =	shalt  }
0x4f: {  	_ =	shalt  }
0x50: {  	_ =	shalt  }
0x51: {  	_ =	shalt  }
0x52: {  	_ =	shalt  }
0x53: {  	_ =	shalt  }
0x54: {  	_ =	shalt  }
0x55: {  	_ =	shalt  }
0x56: {  	_ =	shalt  }
0x57: {  	_ =	shalt  }
0x58: {  	_ =	shalt  }
0x59: {  	_ =	shalt  }
0x5a: {  	_ =	shalt  }
0x5b: {  	_ =	shalt  }
0x5c: {  	_ =	shalt  }
0x5d: {  	_ =	shalt  }
0x5e: {  	_ =	shalt  }
0x5f: {  	_ =	shalt  }
0x60: {  	_ =	shalt  }
0x61: {  	_ =	shalt  }
0x62: {  	_ =	shalt  }
0x63: {  	_ =	shalt  }
0x64: {  	_ =	shalt  }
0x65: {  	_ =	shalt  }
0x66: {  	_ =	shalt  }
0x67: {  	_ =	shalt  }
0x68: {  	_ =	shalt  }
0x69: {  	_ =	shalt  }
0x6a: {  	_ =	shalt  }
0x6b: {  	_ =	shalt  }
0x6c: {  	_ =	shalt  }
0x6d: {  	_ =	shalt  }
0x6e: {  	_ =	shalt  }
0x6f: {  	_ =	shalt  }
0x70: {  	_ =	shalt  }
0x71: {  	_ =	shalt  }
0x72: {  	_ =	shalt  }
0x73: {  	_ =	shalt  }
0x74: {  	_ =	shalt  }
0x75: {  	_ =	shalt  }
0x76: {  	_ =	shalt  }
0x77: {  	_ =	shalt  }
0x78: {  	_ =	shalt  }
0x79: {  	_ =	shalt  }
0x7a: {  	_ =	shalt  }
0x7b: {  	_ =	shalt  }
0x7c: {  	_ =	shalt  }
0x7d: {  	_ =	shalt  }
0x7e: {  	_ =	shalt  }
0x7f: {  	_ =	shalt  }
0x80: {  	_ =	shalt  }
0x81: {  	_ =	shalt  }
0x82: {  	_ =	shalt  }
0x83: {  	_ =	shalt  }
0x84: {  	_ =	shalt  }
0x85: {  	_ =	shalt  }
0x86: {  	_ =	shalt  }
0x87: {  	_ =	shalt  }
.Lfunc_end0:
.L_simem_size_0:
called_computation_lowered:
.L_overlay_start_0:
0x88: {  	s2 =	sld [smem:$0x3FD9]  }
0x89: {  	s3 =	sld [smem:$0x3FFE];
	_ =	sdelay $0x1  }
0x8a: {  	s1 =	srdreg.scid  }
0x8b: {  	s0 =	sand.u32 $0x1, s1  }
0x8c: {  	s17 =	sshll.u32 s0, $0xA;
	s2 =	sadd.s32 s3, s2  }
0x8d: {  	s2 =	sadd.s32 s2, s17  }
0x8e: {  	[smem:$0x3FC0] =	sst s2  }
0x8f: {  	_ = 	snop  }
0x90: {  	s2 =	sld [smem:$0x3FD0];
	(tm) =	ssettm $0x1  }
0x91: {  	s18 =	sld [smem:$0x3FFB];
	_ =	sdelay $0x3  }
0x92: {  	_ =	strace s18  }
0x93: {  	s3 =	sld [smem:$0x3FFC];
	_ =	sdelay $0x3  }
0x94: {  	_ =	strace s3  }
0x95: {  	s3 =	sld [smem:$0x3FFD];
	_ =	sdelay $0x3  }
0x96: {  	_ =	strace s3  }
0x97: {  	_ =	strace $0x8FFFFFFF  }
0x98: {  	s19 =	sld [smem:$0x3FDB];
	_ =	sdelay $0x1  }
0x99: {  	s4 =	simm.s32 $_scs_section_size  }
0x9a: {  	s5 =	simm.s32 $_size__tile_overlayer_lowered;
	s6 =	simm.s32 $_tile_overlayer_lowered  }
0x9b: {  	s22 =	simm.s32 $0x1BFF;
	s21 =	sshll.u32 s6, $0x1;
	s3 =	sadd.s32 s4, s19  }
0x9c: {  	s7 =	simm.s32 $0x0;
	s20 =	sshll.u32 s5, $0x1;
	s5 =	sadd.s32 s21, s3  }
0x9d: {  	[timem:s7], [sflag:s22] =	dma.local [hbm:s5], s20  }
0x9e: {  	_ =	swait.ge [sflag:s22], s20  }
0x9f: {  	s4 =	ssub.s32 $0x0, s20;
	[sflag:s22] =	ssyncset.done $0x0  }
0xa0: {  	[sflag:s22] =	ssyncadd.s32 s4;
	_ =	sdelay $0x1  }
0xa1: {  	s23 =	simm.s32 $0x1B8B  }
0xa2: {  	_ =	swait.ge [sflag:s23], $0x1  }
0xa3: {  	[sflag:s23] =	ssyncset.done $0x0  }
0xa4: {  	s25 =	simm.s32 $0x1B8E;
	s24 =	sld [smem:$0x3FFE];
	[sflag:s23] =	ssyncadd.s32 $0xFFFFFFFF  }
0xa5: {  	s26 =	simm.s32 $execute0_lowered;
	[smem:$0x3FD2] =	sst s25  }
0xa6: {  	s5 =	sshll.u32 s26, $0x1;
	_ =	strace $0x80000046;
	[dreg:$0x1] =	wrdreg $0xFFFFFFFF  }
0xa7: {  	s28 =	simm.s32 $_size_execute0_lowered;
	s3 =	sadd.s32 s3, s5;
	[dreg:$0x0] =	wrdreg $0x0  }
0xa8: {  	s5 =	sshll.u32 s28, $0x1;
	[dreg:$0x2] =	wrdreg s3  }
0xa9: {  	[dreg:$0x3] =	wrdreg s5  }
0xaa: {  	[dreg:$0x4] =	wrdreg $0xC0  }
0xab: {  	_ =	task [dreg:s7], $0x5FFFF  }
0xac: {  	[dreg:$0x1] =	wrdreg $0xFFFFFFFF  }
0xad: {  	[dreg:$0x0] =	wrdreg $0x60  }
0xae: {  	[dreg:$0x2] =	wrdreg s24  }
0xaf: {  	[dreg:$0x3] =	wrdreg s2  }
0xb0: {  	[dreg:$0x4] =	wrdreg $0x5500  }
0xb1: {  	[dreg:$0x5] =	wrdreg $0x9  }
0xb2: {  	_ =	task.clear_ibuf [dreg:s7], $0x6FFFF;
	_ =	strace $0x90000046  }
0xb3: {  	s29 =	simm.s32 $0x9;
	_ =	strace $0x80000048  }
0xb4: {  	_ =	swait.ge [sflag:s29], $0x1  }
0xb5: {  	[sflag:s29] =	ssyncadd.s32 $0xFFFFFFFF  }
0xb6: {  	_ =	strace $0x90000048  }
0xb7: {  	_ =	sfence  }
0xb8: {  	s30 =	sld [smem:$0x0];
	_ =	sdelay $0x2  }
0xb9: {  	s31 =	sshll.u32 s1, $0xD;
	s1 =	sshrl.u32 s1, $0x2  }
0xba: {  	s3 =	sand.u32 $0x4000, s31;
	s1 =	sadd.s32 s1, s30  }
0xbb: {  	s0 =	sor.u32 s3, s0;
	s1 =	sshll.u32 s1, $0x11  }
0xbc: {  	s0 =	sor.u32 s1, s0  }
0xbd: {  	s0 =	sadd.s32 $0x8F2B, s0  }
0xbe: {  	[sflag:s0] =	ssyncadd.remote.s32 $0x1  }
0xbf: {  	_ =	sfence.sel $0xFFFF  }
0xc0: {  	[dreg:$0x0] =	wrdreg $0xFFFFFFFF;
	(pc) =	sbr.abs _section_cstart, $3  }
0xc1: {  	[dreg:$0x1] =	wrdreg $0xFFFFFFFF  }
0xc2: {  	_ =	task.clear_ibuf [dreg:s7], $0x2FFFF;
	_ =	strace $0x9FFFFFFF  }
0xc3: {  	(tm) =	ssettm $0x7FFFFFFF  }
tec
execute0_lowered:
.L_overlay_start_1:
0x0: {  	(tag) =	ssettag $0x1  }
0x1: {  	s5 =	rddreg [dreg:$0x0];
	s1 =	srdreg.scid  }
0x2: {  	s0 =	stileid.u32;
	s6 =	rddreg [dreg:$0x1]  }
0x3: {  	s2 =	rddreg [dreg:$0x2];
	s3 =	simm.s32 $0x0;
	s4 =	smul.u32 $0x4E20, s0  }
0x4: {  	s7 =	sand.u32 $0x1, s1;
	s1 =	rddreg [dreg:$0x3];
	s29 =	smul.u32 $0x2800, s0  }
0x5: {  	s13 =	simm.s32 $0x0;
	[smem:$0x7FF] =	sst s3;
	s8 =	smul.u32 $0x2710, s7  }
0x6: {  	s31 =	sshll.u32 s0, $0x6;
	s9 =	smul.u32 $0x28000, s7;
	s7 =	ssub.s32 $0x2, s7  }
0x7: {  	_ =	strace $0x80000047;
	s11 =	sshrl.u32 s7, $0x1;
	s12 =	sadd.s32 s29, s2  }
0x8: {  	s4 =	sadd.s32 s8, s4;
	s9 =	sadd.s32 s29, s9;
	s7 =	ssub.s32 s7, s11  }
0x9: {  	s11 =	sor.u32 $0x1C01, s31;
	s12 =	sshrl.u32 s12, $0x3;
	s4 =	sshrl.u32 s4, $0x3  }
0xa: {  	s30 =	sshrl.u32 s9, $0x3;
	s7 =	smax.u32 s7, $0x1;
	s9 =	simm.s32 $0x50  }
0xb: {  	s10 =	sadd.s32 s4, s5;
	s4 =	sadd.s32 $0x16600, s5;
	s5 =	sadd.s32 $0x16800, s5  }
0xc: {  	s6 =	sadd.s32 s6, s30;
	s8 =	sadd.s32 $0xC800, s10;
	s10 =	simm.s32 $0x1  }
.LBB2_1:
0xd: {  	[tilespmem:s9], [sflag:$0x1] =	stream.linear.gather [hbm4b:s4+s3], $0x500, $0x38;
	[tilespmem:$0x2D50] =	vst v63  }
0xe: {  	_ =	swait.ge [sflag:s10], $0x500  }
0xf: {  	[sflag:s10] =	ssyncset.done $0x0  }
0x10: {  	[sflag:s10] =	ssyncadd.s32 $0xFFFFFB00  }
0x11: {  	[spmem:s12], [sflag:s11] =	dma.local [hbm:s5], $0x500  }
0x12: {  	_ =	swait.ge [sflag:s10], $0x500  }
0x13: {  	[sflag:s10] =	ssyncset.done $0x0  }
0x14: {  	[sflag:s10] =	ssyncadd.s32 $0xFFFFFB00  }
0x15: {  	s14 =	sadd.s32 $0x0, s8;
	[bflag:$0x0] =	sbarrier.arrive $0xFFFF  }
0x16: {  	[tilespmem:s3], [sflag:$0x1] =	stream.linear.gather [hbm4b:s14+s3], $0x50, $0x38;
	[tilespmem:$0x2D50] =	vst v63  }
0x17: {  	_ =	swait.ge [sflag:s10], $0x50  }
0x18: {  	[sflag:s10] =	ssyncset.done $0x0  }
0x19: {  	[sflag:s10] =	ssyncadd.s32 $0xFFFFFFB0  }
0x1a: {  	[spmem:s2] =	stream.indirect.scatter.add.f32 [tilespmem:s9], [sflag:$0x1], $0x10, s3, s9, $0xb8;
	[tilespmem:$0x2D50] =	vst v63  }
0x1b: {  	_ =	swait.ge [sflag:s10], $0x500  }
0x1c: {  	s15 =	simm.s32 $0x14;
	s14 =	simm.s32 $0xA;
	[sflag:s10] =	ssyncset.done $0x0  }
.LBB2_2:
0x1d: {  	s16 =	sadd.s32 s14, s8  }
0x1e: {  	[sflag:s10] =	ssyncadd.s32 $0xFFFFFB00;
	s14 =	smov.u32 s15;
	s17 =	sadd.s32 $0xA, s15  }
0x1f: {  	[tilespmem:s3], [sflag:$0x1] =	stream.linear.gather [hbm4b:s16+s3], $0x50, $0x38;
	[tilespmem:$0x2D50] =	vst v63  }
0x20: {  	p0 =	sne.s32 s15, $0x4D8;
	_ =	swait.ge [sflag:s10], $0x50  }
.Ltmp0:
0x21: {  	[sflag:s10] =	ssyncset.done $0x0;
	(pc) =	sbr.rel @p0 .LBB2_2-.Ltmp0, $4  }
0x22: {  	[sflag:s10] =	ssyncadd.s32 $0xFFFFFFB0  }
0x23: {  	[spmem:s2] =	stream.indirect.scatter.add.f32 [tilespmem:s9], [sflag:$0x1], $0x10, s3, s9, $0xb8;
	[tilespmem:$0x2D50] =	vst v63  }
0x24: {  	_ =	swait.ge [sflag:s10], $0x500  }
0x25: {  	s15 =	smov.u32 s17;
	[sflag:s10] =	ssyncset.done $0x0  }
0x26: {  	s14 =	sadd.s32 s14, s8;
	[sflag:s10] =	ssyncadd.s32 $0xFFFFFB00  }
0x27: {  	[tilespmem:s3], [sflag:$0x1] =	stream.linear.gather [hbm4b:s14+s3], $0x50, $0x38;
	[tilespmem:$0x2D50] =	vst v63  }
0x28: {  	_ =	swait.ge [sflag:s10], $0x50  }
0x29: {  	[sflag:s10] =	ssyncset.done $0x0  }
0x2a: {  	[sflag:s10] =	ssyncadd.s32 $0xFFFFFFB0  }
0x2b: {  	[spmem:s2] =	stream.indirect.scatter.add.f32 [tilespmem:s9], [sflag:$0x1], $0x10, s3, s9, $0xb8;
	[tilespmem:$0x2D50] =	vst v63  }
0x2c: {  	_ =	swait.ge [sflag:s10], $0x500  }
0x2d: {  	s13 =	sadd.s32 $0x1, s13;
	[sflag:s10] =	ssyncset.done $0x0  }
0x2e: {  	p0 =	sne.s32 s13, s7;
	[sflag:s10] =	ssyncadd.s32 $0xFFFFFB00  }
.Ltmp1:
0x2f: {  	[bflag:$0x0] =	sbarrier.arrive $0xFFFF;
	(pc) =	sbr.rel @p0 .LBB2_1-.Ltmp1, $4  }
0x30: {  	[hbm:s6], [sflag:s11] =	dma.local [spmem:s12], $0x500  }
0x31: {  	_ =	swait.ge [sflag:s10], $0x500  }
0x32: {  	[sflag:s10] =	ssyncset.done $0x0  }
0x33: {  	[sflag:s10] =	ssyncadd.s32 $0xFFFFFB00  }
0x34: {  	_ =	sfence.sel $0x180000  }
0x35: {  	[bflag:$0x0] =	sbarrier.arrive $0xFFFF  }
0x36: {  	p0 =	sne.s32 s0, $0x0;
	_ =	strace $0x90000047  }
0x37: {  	s0 =	sadd.s32 @!p0 $0x100000, s1;
	[bflag:$0x2] =	sbarrier.arrive $0xFFFF  }
0x38: {  	[sflag:s0] =	ssyncadd.tile.s32 @!p0 $0x1;
	_ =	shalt  }
.Lfunc_end2:
_tile_overlayer_lowered:
.L_overlay_start_2:
0x39: {  	(tag) =	ssettag $0x2  }
0x3a: {  	s0 =	rddreg [dreg:$0x0];
	s2 =	stileid.u32  }
0x3b: {  	s1 =	rddreg [dreg:$0x1];
	p0 =	sne.s32 s2, $0x0  }
0x3c: {  	s3 =	rddreg [dreg:$0x2];
	[bflag:$0x3] =	sbarrier.arrive $0xFFFF;
	s2 =	simm.s32 @!p0 $0x1C01  }
0x3d: {  	[timem:s3], [sflag:s2] =	dma.local @!p0 [hbm:s0], s1  }
0x3e: {  	s0 =	simm.s32 @!p0 $0x1  }
0x3f: {  	_ =	swait.ge @!p0 [sflag:s0], s1  }
0x40: {  	s1 =	ssub.s32 @!p0 $0x0, s1;
	[sflag:s0] =	ssyncset.done @!p0 $0x0  }
0x41: {  	[sflag:s0] =	ssyncadd.s32 @!p0 s1  }
0x42: {  	[bflag:$0x3] =	sbarrier.arrive $0xFFFF  }
0x43: {  	_ =	shalt  }

// kernel: kernel.14.cloned.1.call-start
scs
__scs_entry_jumppad:
0x0: {  	(pc) =	sbr.rel $0x88, $3  }
0x1: {  	(tag) =	ssettag $0x0;
	lr =	simm.s32 $0x1  }
0x2: {  	[smem:$0x3F99] =	sst lr;
	_ =	strace $0xD0000000  }
0x3: {  	_ = 	snop  }
0x4: {  	_ = 	snop  }
0x5: {  	_ = 	snop  }
0x6: {  	_ = 	snop  }
0x7: {  	_ = 	snop  }
__scs_overlays_trampoline_lowered:
0x8: {  	[smem:$0x3FA8] =	sst s0  }
0x9: {  	[smem:$0x3FA9] =	sst s1  }
0xa: {  	[smem:$0x3FAA] =	sst s2  }
0xb: {  	[smem:$0x3FAB] =	sst s3  }
0xc: {  	[smem:$0x3FAC] =	sst s4  }
0xd: {  	[smem:$0x3FAD] =	sst s5  }
0xe: {  	[smem:$0x3FAE] =	sst s6  }
0xf: {  	[smem:$0x3FAF] =	sst s7  }
0x10: {  	[smem:$0x3FB0] =	sst s8  }
0x11: {  	[smem:$0x3FB1] =	sst s9;
	s0 =	simm.s32 @!p0 $0x0  }
0x12: {  	s1 =	sld [smem:$0x3F97];
	s0 =	simm.s32 @p0 $0x1  }
0x13: {  	[smem:$0x3FB2] =	sst s0;
	s0 =	simm.s32 @!p1 $0x0  }
0x14: {  	s2 =	sld [smem:$0x3F96];
	s0 =	simm.s32 @p1 $0x1  }
0x15: {  	[smem:$0x3FB3] =	sst s0;
	s0 =	simm.s32 @!p2 $0x0  }
0x16: {  	s3 =	sld [smem:$0x3FDB];
	s0 =	simm.s32 @p2 $0x1  }
0x17: {  	s4 =	simm.s32 $0x1BF5;
	[smem:$0x3FB5] =	sst s0  }
0x18: {  	s0 =	sld [smem:$0x3F98];
	_ =	swait.ge [sflag:s4], $0x0  }
0x19: {  	s7 =	sld [smem:$0x3F99]  }
0x1a: {  	s8 =	sadd.s32 $0xFFFFE003, lr  }
0x1b: {  	s9 =	sadd.s32 $0xFFFFFEF7, lr;
	s5 =	simm.s32 $0xFFFFFFFF;
	p2 =	slt.u32 s8, $0xFFFFF086  }
0x1c: {  	p1 =	slt.u32 s9, $0xF7A;
	s5 =	simm.s32 @!p2 $0x0  }
0x1d: {  	s5 =	simm.s32 @p1 $0x1;
	p0 =	seq.s32 s7, s2  }
0x1e: {  	s7 =	smul.u32 @!p0 $0xF7A, s2;
	p2 =	seq.s32 @!p0 s5, $0x0  }
0x1f: {  	s9 =	smul.u32 $0xF7A, s1;
	s8 =	simm.s32 @!p0 $0x1BF5;
	p2 =	por !p2, p0  }
0x20: {  	[sflag:s8] =	ssyncset.s32 @!p0 $0xFFFFF086;
	s6 =	sadd.s32 @!p0 s3, s7;
	s7 =	simm.s32 @!p0 $0x108  }
0x21: {  	s3 =	sadd.s32 s3, s9;
	s6 =	sadd.s32 @!p0 $0x88, s6;
	s7 =	simm.s32 @p2 $0x1082  }
0x22: {  	[simem:s7], [sflag:s8] =	dma.local @!p0 [hbm:s6], $0xF7A  }
0x23: {  	s9 =	sor.u32 $0xD0000000, s2;
	s6 =	simm.s32 $0x108;
	_ =	swait.ge @!p0 [sflag:s8], $0x0  }
0x24: {  	s3 =	sadd.s32 $0x88, s3;
	s6 =	simm.s32 @!p1 $0x1082;
	[sflag:s4] =	ssyncset.s32 $0xFFFFF086  }
0x25: {  	[simem:s6], [sflag:s4] =	dma.local [hbm:s3], $0xF7A  }
0x26: {  	[smem:$0x3F99] =	sst s1;
	(tag) =	ssettag s2;
	_ =	strace s9  }
0x27: {  	s1 =	sld [smem:$0x3FA9]  }
0x28: {  	s2 =	sld [smem:$0x3FAA]  }
0x29: {  	s4 =	sld [smem:$0x3FAC]  }
0x2a: {  	p0 =	seq.s32 s5, $0x0;
	s5 =	sld [smem:$0x3FAD]  }
0x2b: {  	s6 =	sld [smem:$0x3FAE]  }
0x2c: {  	s7 =	sld [smem:$0x3FAF]  }
0x2d: {  	s3 =	simm.s32 $0x108;
	s8 =	sld [smem:$0x3FB0]  }
0x2e: {  	s3 =	simm.s32 @!p0 $0x1082;
	s9 =	sld [smem:$0x3FB1]  }
0x2f: {  	lr =	sadd.s32 s0, s3;
	s0 =	sld [smem:$0x3FA8]  }
0x30: {  	s3 =	sld [smem:$0x3FAB]  }
0x31: {  	[smem:$0x3FB4] =	sst s10  }
0x32: {  	s10 =	sld [smem:$0x3FB2];
	_ =	sdelay $0x3  }
0x33: {  	p0 =	seq.s32 s10, $0x1;
	s10 =	sld [smem:$0x3FB4];
	_ =	sdelay $0x3  }
0x34: {  	[smem:$0x3FB4] =	sst s10  }
0x35: {  	s10 =	sld [smem:$0x3FB3];
	_ =	sdelay $0x3  }
0x36: {  	p1 =	seq.s32 s10, $0x1;
	s10 =	sld [smem:$0x3FB4];
	_ =	sdelay $0x3  }
0x37: {  	[smem:$0x3FB4] =	sst s10  }
0x38: {  	s10 =	sld [smem:$0x3FB5]  }
0x39: {  	_ = 	snop;
	(pc) =	sbr.ind lr, $3  }
0x3a: {  	_ = 	snop  }
0x3b: {  	_ = 	snop  }
0x3c: {  	p2 =	seq.s32 s10, $0x1;
	s10 =	sld [smem:$0x3FB4]  }
0x3d: {  	_ =	shalt  }
0x3e: {  	_ =	shalt  }
0x3f: {  	_ =	shalt  }
0x40: {  	_ =	shalt  }
0x41: {  	_ =	shalt  }
0x42: {  	_ =	shalt  }
0x43: {  	_ =	shalt  }
0x44: {  	_ =	shalt  }
0x45: {  	_ =	shalt  }
0x46: {  	_ =	shalt  }
0x47: {  	_ =	shalt  }
0x48: {  	_ =	shalt  }
0x49: {  	_ =	shalt  }
0x4a: {  	_ =	shalt  }
0x4b: {  	_ =	shalt  }
0x4c: {  	_ =	shalt  }
0x4d: {  	_ =	shalt  }
0x4e: {  	_ =	shalt  }
0x4f: {  	_ =	shalt  }
0x50: {  	_ =	shalt  }
0x51: {  	_ =	shalt  }
0x52: {  	_ =	shalt  }
0x53: {  	_ =	shalt  }
0x54: {  	_ =	shalt  }
0x55: {  	_ =	shalt  }
0x56: {  	_ =	shalt  }
0x57: {  	_ =	shalt  }
0x58: {  	_ =	shalt  }
0x59: {  	_ =	shalt  }
0x5a: {  	_ =	shalt  }
0x5b: {  	_ =	shalt  }
0x5c: {  	_ =	shalt  }
0x5d: {  	_ =	shalt  }
0x5e: {  	_ =	shalt  }
0x5f: {  	_ =	shalt  }
0x60: {  	_ =	shalt  }
0x61: {  	_ =	shalt  }
0x62: {  	_ =	shalt  }
0x63: {  	_ =	shalt  }
0x64: {  	_ =	shalt  }
0x65: {  	_ =	shalt  }
0x66: {  	_ =	shalt  }
0x67: {  	_ =	shalt  }
0x68: {  	_ =	shalt  }
0x69: {  	_ =	shalt  }
0x6a: {  	_ =	shalt  }
0x6b: {  	_ =	shalt  }
0x6c: {  	_ =	shalt  }
0x6d: {  	_ =	shalt  }
0x6e: {  	_ =	shalt  }
0x6f: {  	_ =	shalt  }
0x70: {  	_ =	shalt  }
0x71: {  	_ =	shalt  }
0x72: {  	_ =	shalt  }
0x73: {  	_ =	shalt  }
0x74: {  	_ =	shalt  }
0x75: {  	_ =	shalt  }
0x76: {  	_ =	shalt  }
0x77: {  	_ =	shalt  }
0x78: {  	_ =	shalt  }
0x79: {  	_ =	shalt  }
0x7a: {  	_ =	shalt  }
0x7b: {  	_ =	shalt  }
0x7c: {  	_ =	shalt  }
0x7d: {  	_ =	shalt  }
0x7e: {  	_ =	shalt  }
0x7f: {  	_ =	shalt  }
0x80: {  	_ =	shalt  }
0x81: {  	_ =	shalt  }
0x82: {  	_ =	shalt  }
0x83: {  	_ =	shalt  }
0x84: {  	_ =	shalt  }
0x85: {  	_ =	shalt  }
0x86: {  	_ =	shalt  }
0x87: {  	_ =	shalt  }
.Lfunc_end0:
.L_simem_size_0:
called_computation.1_lowered:
.L_overlay_start_0:
0x88: {  	s2 =	sld [smem:$0x3FD9]  }
0x89: {  	s3 =	sld [smem:$0x3FFE];
	_ =	sdelay $0x1  }
0x8a: {  	s1 =	srdreg.scid  }
0x8b: {  	s0 =	sand.u32 $0x1, s1  }
0x8c: {  	s17 =	sshll.u32 s0, $0xA;
	s2 =	sadd.s32 s3, s2  }
0x8d: {  	s2 =	sadd.s32 s2, s17  }
0x8e: {  	[smem:$0x3FC0] =	sst s2  }
0x8f: {  	_ = 	snop  }
0x90: {  	s2 =	sld [smem:$0x3FD0];
	(tm) =	ssettm $0x1  }
0x91: {  	s18 =	sld [smem:$0x3FFB];
	_ =	sdelay $0x3  }
0x92: {  	_ =	strace s18  }
0x93: {  	s3 =	sld [smem:$0x3FFC];
	_ =	sdelay $0x3  }
0x94: {  	_ =	strace s3  }
0x95: {  	s3 =	sld [smem:$0x3FFD];
	_ =	sdelay $0x3  }
0x96: {  	_ =	strace s3  }
0x97: {  	_ =	strace $0x8FFFFFFF  }
0x98: {  	s19 =	sld [smem:$0x3FDB];
	_ =	sdelay $0x1  }
0x99: {  	s4 =	simm.s32 $_scs_section_size  }
0x9a: {  	s5 =	simm.s32 $_size__tile_overlayer_lowered;
	s6 =	simm.s32 $_tile_overlayer_lowered  }
0x9b: {  	s22 =	simm.s32 $0x1BFF;
	s21 =	sshll.u32 s6, $0x1;
	s3 =	sadd.s32 s4, s19  }
0x9c: {  	s7 =	simm.s32 $0x0;
	s20 =	sshll.u32 s5, $0x1;
	s5 =	sadd.s32 s21, s3  }
0x9d: {  	[timem:s7], [sflag:s22] =	dma.local [hbm:s5], s20  }
0x9e: {  	_ =	swait.ge [sflag:s22], s20  }
0x9f: {  	s4 =	ssub.s32 $0x0, s20;
	[sflag:s22] =	ssyncset.done $0x0  }
0xa0: {  	[sflag:s22] =	ssyncadd.s32 s4;
	_ =	sdelay $0x1  }
0xa1: {  	s23 =	simm.s32 $0x1B8B  }
0xa2: {  	_ =	swait.ge [sflag:s23], $0x1  }
0xa3: {  	[sflag:s23] =	ssyncset.done $0x0  }
0xa4: {  	s25 =	simm.s32 $0x1B8E;
	s24 =	sld [smem:$0x3FFE];
	[sflag:s23] =	ssyncadd.s32 $0xFFFFFFFF  }
0xa5: {  	s26 =	simm.s32 $execute0_lowered;
	[smem:$0x3FD2] =	sst s25  }
0xa6: {  	s5 =	sshll.u32 s26, $0x1;
	_ =	strace $0x80000049;
	[dreg:$0x1] =	wrdreg $0xFFFFFFFF  }
0xa7: {  	s28 =	simm.s32 $_size_execute0_lowered;
	s3 =	sadd.s32 s3, s5;
	[dreg:$0x0] =	wrdreg $0x0  }
0xa8: {  	s5 =	sshll.u32 s28, $0x1;
	[dreg:$0x2] =	wrdreg s3  }
0xa9: {  	[dreg:$0x3] =	wrdreg s5  }
0xaa: {  	[dreg:$0x4] =	wrdreg $0xC0  }
0xab: {  	_ =	task [dreg:s7], $0x5FFFF  }
0xac: {  	[dreg:$0x1] =	wrdreg $0xFFFFFFFF  }
0xad: {  	[dreg:$0x0] =	wrdreg $0x60  }
0xae: {  	[dreg:$0x2] =	wrdreg s2  }
0xaf: {  	[dreg:$0x3] =	wrdreg s24  }
0xb0: {  	[dreg:$0x4] =	wrdreg $0x69000  }
0xb1: {  	[dreg:$0x5] =	wrdreg $0x9  }
0xb2: {  	_ =	task.clear_ibuf [dreg:s7], $0x6FFFF;
	_ =	strace $0x90000049  }
0xb3: {  	s29 =	simm.s32 $0x9;
	_ =	strace $0x8000004B  }
0xb4: {  	_ =	swait.ge [sflag:s29], $0x1  }
0xb5: {  	[sflag:s29] =	ssyncadd.s32 $0xFFFFFFFF  }
0xb6: {  	_ =	strace $0x9000004B  }
0xb7: {  	_ =	sfence  }
0xb8: {  	s30 =	sld [smem:$0x0];
	_ =	sdelay $0x2  }
0xb9: {  	s31 =	sshll.u32 s1, $0xD;
	s1 =	sshrl.u32 s1, $0x2  }
0xba: {  	s3 =	sand.u32 $0x4000, s31;
	s1 =	sadd.s32 s1, s30  }
0xbb: {  	s0 =	sor.u32 s3, s0;
	s1 =	sshll.u32 s1, $0x11  }
0xbc: {  	s0 =	sor.u32 s1, s0  }
0xbd: {  	s0 =	sadd.s32 $0x8F2B, s0  }
0xbe: {  	[sflag:s0] =	ssyncadd.remote.s32 $0x1  }
0xbf: {  	_ =	sfence.sel $0xFFFF  }
0xc0: {  	[dreg:$0x0] =	wrdreg $0xFFFFFFFF;
	(pc) =	sbr.abs _section_cstart, $3  }
0xc1: {  	[dreg:$0x1] =	wrdreg $0xFFFFFFFF  }
0xc2: {  	_ =	task.clear_ibuf [dreg:s7], $0x2FFFF;
	_ =	strace $0x9FFFFFFF  }
0xc3: {  	(tm) =	ssettm $0x7FFFFFFF  }
tec
execute0_lowered:
.L_overlay_start_1:
0x0: {  	(tag) =	ssettag $0x1  }
0x1: {  	s1 =	rddreg [dreg:$0x0]  }
0x2: {  	s2 =	srdreg.scid;
	s5 =	rddreg [dreg:$0x1]  }
0x3: {  	s0 =	stileid.u32;
	s3 =	rddreg [dreg:$0x2]  }
0x4: {  	s4 =	simm.s32 $0x0;
	s14 =	simm.s32 $0x2900;
	s15 =	simm.s32 $0x2  }
0x5: {  	s16 =	simm.s32 $0x80;
	s17 =	simm.s32 $0x50;
	s7 =	smul.u32 $0x4E20, s0  }
0x6: {  	s18 =	simm.s32 $0x100;
	s19 =	simm.s32 $0x1;
	s26 =	smul.u32 $0x14000, s0  }
0x7: {  	s6 =	sand.u32 $0x1, s2;
	s2 =	rddreg [dreg:$0x3];
	s10 =	smul.u32 $0x50000, s0  }
0x8: {  	s22 =	simm.s32 $0x0;
	[smem:$0x7FF] =	sst s4;
	s8 =	smul.u32 $0x2710, s6  }
0x9: {  	s20 =	sshll.u32 s0, $0x6;
	s9 =	smul.u32 $0x140000, s6;
	_ =	strace $0x8000004A  }
0xa: {  	s6 =	ssub.s32 $0x2, s6;
	s20 =	sor.u32 $0x1C02, s20;
	s7 =	sadd.s32 s8, s7  }
0xb: {  	s29 =	sshrl.u32 s6, $0x1;
	s28 =	sadd.s32 s26, s9;
	s7 =	sshrl.u32 s7, $0x3  }
0xc: {  	s11 =	ssub.s32 s6, s29;
	s13 =	sadd.s32 s7, s5;
	s7 =	sshrl.u32 s28, $0x3  }
0xd: {  	s30 =	sshrl.u32 s10, $0x2;
	s11 =	smax.u32 s11, $0x1;
	s31 =	sadd.s32 s7, s5  }
0xe: {  	s5 =	sadd.s32 s30, s3;
	s12 =	sadd.s32 $0xC800, s13;
	s13 =	sadd.s32 $0x2A00, s13  }
0xf: {  	s6 =	sadd.s32 $0x4000, s5;
	s7 =	sadd.s32 $0x8000, s5;
	s8 =	sadd.s32 $0xC000, s5  }
0x10: {  	v0 =	vimm.f32 $0.0e+00;
	s9 =	sadd.s32 $0x10000, s5;
	s10 =	sadd.s32 $0x16600, s31;
	s21 =	sshrl.u32 s5, $0x3  }
.LBB2_1:
0x11: {  	s23 =	simm.s32 $0x0;
	s24 =	simm.s32 $0x200  }
.LBB2_2:
0x12: {  	p0 =	sne.s32 s24, $0xFE00;
	[tilespmem:s23+$0x2970] =	vst v0  }
0x13: {  	[tilespmem:s23+$0x2900] =	vst v0  }
0x14: {  	[tilespmem:s23+$0x2910] =	vst v0  }
.Ltmp0:
0x15: {  	[tilespmem:s23+$0x2920] =	vst v0;
	(pc) =	sbr.rel @p0 .LBB2_2-.Ltmp0, $4  }
0x16: {  	[tilespmem:s23+$0x2930] =	vst v0  }
0x17: {  	[tilespmem:s23+$0x2940] =	vst v0  }
0x18: {  	[tilespmem:s23+$0x2950] =	vst v0  }
0x19: {  	[tilespmem:s23+$0x2960] =	vst v0;
	s23 =	sshra.s32 s24, $0x2;
	s24 =	sadd.s32 $0x200, s24  }
0x1a: {  	[tilespmem:s23+$0x2970] =	vst v0  }
0x1b: {  	[tilespmem:s23+$0x2900] =	vst v0  }
0x1c: {  	[tilespmem:s23+$0x2910] =	vst v0  }
0x1d: {  	[tilespmem:s23+$0x2920] =	vst v0  }
0x1e: {  	[tilespmem:s23+$0x2930] =	vst v0  }
0x1f: {  	[tilespmem:s23+$0x2940] =	vst v0  }
0x20: {  	[tilespmem:s23+$0x2950] =	vst v0  }
0x21: {  	[tilespmem:s23+$0x2960] =	vst v0  }
0x22: {  	[spmem:s5] =	stream.linear.scatter [tilespmem:s14], [sflag:$0x2], $0x4000, $0x38;
	[tilespmem:$0x1A900] =	vst v63  }
0x23: {  	_ =	swait.ge [sflag:s15], $0x4000  }
0x24: {  	[sflag:s15] =	ssyncset.done $0x0  }
0x25: {  	[sflag:s15] =	ssyncadd.s32 $0xFFFFC000  }
0x26: {  	[spmem:s6] =	stream.linear.scatter [tilespmem:s14], [sflag:$0x2], $0x4000, $0x38;
	[tilespmem:$0x1A900] =	vst v63  }
0x27: {  	_ =	swait.ge [sflag:s15], $0x4000  }
0x28: {  	[sflag:s15] =	ssyncset.done $0x0  }
0x29: {  	[sflag:s15] =	ssyncadd.s32 $0xFFFFC000  }
0x2a: {  	[spmem:s7] =	stream.linear.scatter [tilespmem:s14], [sflag:$0x2], $0x4000, $0x38;
	[tilespmem:$0x1A900] =	vst v63  }
0x2b: {  	_ =	swait.ge [sflag:s15], $0x4000  }
0x2c: {  	[sflag:s15] =	ssyncset.done $0x0  }
0x2d: {  	[sflag:s15] =	ssyncadd.s32 $0xFFFFC000  }
0x2e: {  	[spmem:s8] =	stream.linear.scatter [tilespmem:s14], [sflag:$0x2], $0x4000, $0x38;
	[tilespmem:$0x1A900] =	vst v63  }
0x2f: {  	_ =	swait.ge [sflag:s15], $0x4000  }
0x30: {  	[sflag:s15] =	ssyncset.done $0x0  }
0x31: {  	[sflag:s15] =	ssyncadd.s32 $0xFFFFC000  }
0x32: {  	[spmem:s9] =	stream.linear.scatter [tilespmem:s14], [sflag:$0x2], $0x4000, $0x38;
	[tilespmem:$0x1A900] =	vst v63  }
0x33: {  	_ =	swait.ge [sflag:s15], $0x4000  }
0x34: {  	[sflag:s15] =	ssyncset.done $0x0  }
0x35: {  	[sflag:s15] =	ssyncadd.s32 $0xFFFFC000  }
0x36: {  	s30 =	sadd.s32 $0x0, s13;
	[bflag:$0x0] =	sbarrier.arrive $0xFFFF  }
0x37: {  	[tilespmem:s4], [sflag:$0x2] =	stream.linear.gather [hbm4b:s30+s4], $0x50, $0x38;
	[tilespmem:$0x1A900] =	vst v63  }
0x38: {  	_ =	swait.ge [sflag:s15], $0x50  }
0x39: {  	[sflag:s15] =	ssyncset.done $0x0  }
0x3a: {  	s31 =	sadd.s32 $0x0, s12;
	[sflag:s15] =	ssyncadd.s32 $0xFFFFFFB0  }
0x3b: {  	[tilespmem:s16], [sflag:$0x2] =	stream.linear.gather [hbm4b:s31+s4], $0x50, $0x38;
	[tilespmem:$0x1A900] =	vst v63  }
0x3c: {  	_ =	swait.ge [sflag:s15], $0x50  }
0x3d: {  	[sflag:s15] =	ssyncset.done $0x0  }
0x3e: {  	[sflag:s15] =	ssyncadd.s32 $0xFFFFFFB0  }
0x3f: {  	[tilespmem:s18], [sflag:$0x1] =	stream.indirect.gather [hbm4b:s1+s17], $0x80, s4, s17, $0xb8;
	[tilespmem:$0x1A900] =	vst v63  }
0x40: {  	_ =	swait.ge [sflag:s19], $0x2800  }
0x41: {  	[sflag:s19] =	ssyncset.done $0x0  }
0x42: {  	[sflag:s19] =	ssyncadd.s32 $0xFFFFD800  }
0x43: {  	[spmem:s3] =	stream.indirect.scatter.add.f32 [tilespmem:s18], [sflag:$0x2], $0x80, s16, s17, $0xb8;
	[tilespmem:$0x1A900] =	vst v63  }
0x44: {  	_ =	swait.ge [sflag:s15], $0x2800  }
0x45: {  	s23 =	simm.s32 $0xA;
	s24 =	simm.s32 $0x14;
	[sflag:s15] =	ssyncset.done $0x0  }
.LBB2_4:
0x46: {  	s25 =	sadd.s32 s23, s13  }
0x47: {  	[sflag:s15] =	ssyncadd.s32 $0xFFFFD800;
	s26 =	smov.u32 s24;
	s28 =	sadd.s32 $0xA, s24  }
0x48: {  	[tilespmem:s4], [sflag:$0x2] =	stream.linear.gather [hbm4b:s25+s4], $0x50, $0x38;
	[tilespmem:$0x1A900] =	vst v63  }
0x49: {  	p0 =	sne.s32 s24, $0x4D8;
	_ =	swait.ge [sflag:s15], $0x50  }
0x4a: {  	[sflag:s15] =	ssyncset.done $0x0  }
0x4b: {  	s24 =	sadd.s32 s23, s12;
	s23 =	smov.u32 s26;
	[sflag:s15] =	ssyncadd.s32 $0xFFFFFFB0  }
0x4c: {  	[tilespmem:s16], [sflag:$0x2] =	stream.linear.gather [hbm4b:s24+s4], $0x50, $0x38;
	[tilespmem:$0x1A900] =	vst v63  }
0x4d: {  	_ =	swait.ge [sflag:s15], $0x50  }
0x4e: {  	[sflag:s15] =	ssyncset.done $0x0  }
0x4f: {  	[sflag:s15] =	ssyncadd.s32 $0xFFFFFFB0  }
0x50: {  	[tilespmem:s18], [sflag:$0x1] =	stream.indirect.gather [hbm4b:s1+s17], $0x80, s4, s17, $0xb8;
	[tilespmem:$0x1A900] =	vst v63  }
0x51: {  	_ =	swait.ge [sflag:s19], $0x2800  }
.Ltmp1:
0x52: {  	[sflag:s19] =	ssyncset.done $0x0;
	(pc) =	sbr.rel @p0 .LBB2_4-.Ltmp1, $4  }
0x53: {  	[sflag:s19] =	ssyncadd.s32 $0xFFFFD800  }
0x54: {  	[spmem:s3] =	stream.indirect.scatter.add.f32 [tilespmem:s18], [sflag:$0x2], $0x80, s16, s17, $0xb8;
	[tilespmem:$0x1A900] =	vst v63  }
0x55: {  	_ =	swait.ge [sflag:s15], $0x2800  }
0x56: {  	s24 =	smov.u32 s28;
	[sflag:s15] =	ssyncset.done $0x0  }
0x57: {  	s24 =	sadd.s32 s23, s13;
	[sflag:s15] =	ssyncadd.s32 $0xFFFFD800  }
0x58: {  	[tilespmem:s4], [sflag:$0x2] =	stream.linear.gather [hbm4b:s24+s4], $0x50, $0x38;
	[tilespmem:$0x1A900] =	vst v63  }
0x59: {  	_ =	swait.ge [sflag:s15], $0x50  }
0x5a: {  	[sflag:s15] =	ssyncset.done $0x0  }
0x5b: {  	s31 =	sadd.s32 s23, s12;
	[sflag:s15] =	ssyncadd.s32 $0xFFFFFFB0  }
0x5c: {  	[tilespmem:s16], [sflag:$0x2] =	stream.linear.gather [hbm4b:s31+s4], $0x50, $0x38;
	[tilespmem:$0x1A900] =	vst v63  }
0x5d: {  	_ =	swait.ge [sflag:s15], $0x50  }
0x5e: {  	[sflag:s15] =	ssyncset.done $0x0  }
0x5f: {  	[sflag:s15] =	ssyncadd.s32 $0xFFFFFFB0  }
0x60: {  	[tilespmem:s18], [sflag:$0x1] =	stream.indirect.gather [hbm4b:s1+s17], $0x80, s4, s17, $0xb8;
	[tilespmem:$0x1A900] =	vst v63  }
0x61: {  	_ =	swait.ge [sflag:s19], $0x2800  }
0x62: {  	[sflag:s19] =	ssyncset.done $0x0  }
0x63: {  	[sflag:s19] =	ssyncadd.s32 $0xFFFFD800  }
0x64: {  	[spmem:s3] =	stream.indirect.scatter.add.f32 [tilespmem:s18], [sflag:$0x2], $0x80, s16, s17, $0xb8;
	[tilespmem:$0x1A900] =	vst v63  }
0x65: {  	_ =	swait.ge [sflag:s15], $0x2800  }
0x66: {  	s22 =	sadd.s32 $0x1, s22;
	[sflag:s15] =	ssyncset.done $0x0  }
0x67: {  	p0 =	sne.s32 s22, s11;
	[sflag:s15] =	ssyncadd.s32 $0xFFFFD800  }
.Ltmp2:
0x68: {  	[bflag:$0x0] =	sbarrier.arrive $0xFFFF;
	(pc) =	sbr.rel @p0 .LBB2_1-.Ltmp2, $4  }
0x69: {  	[hbm:s10], [sflag:s20] =	dma.local [spmem:s21], $0x2800  }
0x6a: {  	_ =	swait.ge [sflag:s15], $0x2800  }
0x6b: {  	[sflag:s15] =	ssyncset.done $0x0  }
0x6c: {  	[sflag:s15] =	ssyncadd.s32 $0xFFFFD800  }
0x6d: {  	_ =	sfence.sel $0x180000  }
0x6e: {  	[bflag:$0x0] =	sbarrier.arrive $0xFFFF  }
0x6f: {  	p0 =	sne.s32 s0, $0x0;
	_ =	strace $0x9000004A  }
0x70: {  	s0 =	sadd.s32 @!p0 $0x100000, s2;
	[bflag:$0x2] =	sbarrier.arrive $0xFFFF  }
0x71: {  	[sflag:s0] =	ssyncadd.tile.s32 @!p0 $0x1;
	_ =	shalt  }
.Lfunc_end2:
_tile_overlayer_lowered:
.L_overlay_start_2:
0x72: {  	(tag) =	ssettag $0x2  }
0x73: {  	s0 =	rddreg [dreg:$0x0];
	s2 =	stileid.u32  }
0x74: {  	s1 =	rddreg [dreg:$0x1];
	p0 =	sne.s32 s2, $0x0  }
0x75: {  	s3 =	rddreg [dreg:$0x2];
	[bflag:$0x3] =	sbarrier.arrive $0xFFFF;
	s2 =	simm.s32 @!p0 $0x1C02  }
0x76: {  	[timem:s3], [sflag:s2] =	dma.local @!p0 [hbm:s0], s1  }
0x77: {  	s0 =	simm.s32 @!p0 $0x2  }
0x78: {  	_ =	swait.ge @!p0 [sflag:s0], s1  }
0x79: {  	s1 =	ssub.s32 @!p0 $0x0, s1;
	[sflag:s0] =	ssyncset.done @!p0 $0x0  }
0x7a: {  	[sflag:s0] =	ssyncadd.s32 @!p0 s1  }
0x7b: {  	[bflag:$0x3] =	sbarrier.arrive $0xFFFF  }
0x7c: {  	_ =	shalt  }

// kernel: kernel.17.cloned.1.call-start
scs
__scs_entry_jumppad:
0x0: {  	(pc) =	sbr.rel $0x88, $3  }
0x1: {  	(tag) =	ssettag $0x0;
	lr =	simm.s32 $0x1  }
0x2: {  	[smem:$0x3F99] =	sst lr;
	_ =	strace $0xD0000000  }
0x3: {  	_ = 	snop  }
0x4: {  	_ = 	snop  }
0x5: {  	_ = 	snop  }
0x6: {  	_ = 	snop  }
0x7: {  	_ = 	snop  }
__scs_overlays_trampoline_lowered:
0x8: {  	[smem:$0x3FA8] =	sst s0  }
0x9: {  	[smem:$0x3FA9] =	sst s1  }
0xa: {  	[smem:$0x3FAA] =	sst s2  }
0xb: {  	[smem:$0x3FAB] =	sst s3  }
0xc: {  	[smem:$0x3FAC] =	sst s4  }
0xd: {  	[smem:$0x3FAD] =	sst s5  }
0xe: {  	[smem:$0x3FAE] =	sst s6  }
0xf: {  	[smem:$0x3FAF] =	sst s7  }
0x10: {  	[smem:$0x3FB0] =	sst s8  }
0x11: {  	[smem:$0x3FB1] =	sst s9;
	s0 =	simm.s32 @!p0 $0x0  }
0x12: {  	s1 =	sld [smem:$0x3F97];
	s0 =	simm.s32 @p0 $0x1  }
0x13: {  	[smem:$0x3FB2] =	sst s0;
	s0 =	simm.s32 @!p1 $0x0  }
0x14: {  	s2 =	sld [smem:$0x3F96];
	s0 =	simm.s32 @p1 $0x1  }
0x15: {  	[smem:$0x3FB3] =	sst s0;
	s0 =	simm.s32 @!p2 $0x0  }
0x16: {  	s3 =	sld [smem:$0x3FDB];
	s0 =	simm.s32 @p2 $0x1  }
0x17: {  	s4 =	simm.s32 $0x1BF5;
	[smem:$0x3FB5] =	sst s0  }
0x18: {  	s0 =	sld [smem:$0x3F98];
	_ =	swait.ge [sflag:s4], $0x0  }
0x19: {  	s7 =	sld [smem:$0x3F99]  }
0x1a: {  	s8 =	sadd.s32 $0xFFFFE003, lr  }
0x1b: {  	s9 =	sadd.s32 $0xFFFFFEF7, lr;
	s5 =	simm.s32 $0xFFFFFFFF;
	p2 =	slt.u32 s8, $0xFFFFF086  }
0x1c: {  	p1 =	slt.u32 s9, $0xF7A;
	s5 =	simm.s32 @!p2 $0x0  }
0x1d: {  	s5 =	simm.s32 @p1 $0x1;
	p0 =	seq.s32 s7, s2  }
0x1e: {  	s7 =	smul.u32 @!p0 $0xF7A, s2;
	p2 =	seq.s32 @!p0 s5, $0x0  }
0x1f: {  	s9 =	smul.u32 $0xF7A, s1;
	s8 =	simm.s32 @!p0 $0x1BF5;
	p2 =	por !p2, p0  }
0x20: {  	[sflag:s8] =	ssyncset.s32 @!p0 $0xFFFFF086;
	s6 =	sadd.s32 @!p0 s3, s7;
	s7 =	simm.s32 @!p0 $0x108  }
0x21: {  	s3 =	sadd.s32 s3, s9;
	s6 =	sadd.s32 @!p0 $0x88, s6;
	s7 =	simm.s32 @p2 $0x1082  }
0x22: {  	[simem:s7], [sflag:s8] =	dma.local @!p0 [hbm:s6], $0xF7A  }
0x23: {  	s9 =	sor.u32 $0xD0000000, s2;
	s6 =	simm.s32 $0x108;
	_ =	swait.ge @!p0 [sflag:s8], $0x0  }
0x24: {  	s3 =	sadd.s32 $0x88, s3;
	s6 =	simm.s32 @!p1 $0x1082;
	[sflag:s4] =	ssyncset.s32 $0xFFFFF086  }
0x25: {  	[simem:s6], [sflag:s4] =	dma.local [hbm:s3], $0xF7A  }
0x26: {  	[smem:$0x3F99] =	sst s1;
	(tag) =	ssettag s2;
	_ =	strace s9  }
0x27: {  	s1 =	sld [smem:$0x3FA9]  }
0x28: {  	s2 =	sld [smem:$0x3FAA]  }
0x29: {  	s4 =	sld [smem:$0x3FAC]  }
0x2a: {  	p0 =	seq.s32 s5, $0x0;
	s5 =	sld [smem:$0x3FAD]  }
0x2b: {  	s6 =	sld [smem:$0x3FAE]  }
0x2c: {  	s7 =	sld [smem:$0x3FAF]  }
0x2d: {  	s3 =	simm.s32 $0x108;
	s8 =	sld [smem:$0x3FB0]  }
0x2e: {  	s3 =	simm.s32 @!p0 $0x1082;
	s9 =	sld [smem:$0x3FB1]  }
0x2f: {  	lr =	sadd.s32 s0, s3;
	s0 =	sld [smem:$0x3FA8]  }
0x30: {  	s3 =	sld [smem:$0x3FAB]  }
0x31: {  	[smem:$0x3FB4] =	sst s10  }
0x32: {  	s10 =	sld [smem:$0x3FB2];
	_ =	sdelay $0x3  }
0x33: {  	p0 =	seq.s32 s10, $0x1;
	s10 =	sld [smem:$0x3FB4];
	_ =	sdelay $0x3  }
0x34: {  	[smem:$0x3FB4] =	sst s10  }
0x35: {  	s10 =	sld [smem:$0x3FB3];
	_ =	sdelay $0x3  }
0x36: {  	p1 =	seq.s32 s10, $0x1;
	s10 =	sld [smem:$0x3FB4];
	_ =	sdelay $0x3  }
0x37: {  	[smem:$0x3FB4] =	sst s10  }
0x38: {  	s10 =	sld [smem:$0x3FB5]  }
0x39: {  	_ = 	snop;
	(pc) =	sbr.ind lr, $3  }
0x3a: {  	_ = 	snop  }
0x3b: {  	_ = 	snop  }
0x3c: {  	p2 =	seq.s32 s10, $0x1;
	s10 =	sld [smem:$0x3FB4]  }
0x3d: {  	_ =	shalt  }
0x3e: {  	_ =	shalt  }
0x3f: {  	_ =	shalt  }
0x40: {  	_ =	shalt  }
0x41: {  	_ =	shalt  }
0x42: {  	_ =	shalt  }
0x43: {  	_ =	shalt  }
0x44: {  	_ =	shalt  }
0x45: {  	_ =	shalt  }
0x46: {  	_ =	shalt  }
0x47: {  	_ =	shalt  }
0x48: {  	_ =	shalt  }
0x49: {  	_ =	shalt  }
0x4a: {  	_ =	shalt  }
0x4b: {  	_ =	shalt  }
0x4c: {  	_ =	shalt  }
0x4d: {  	_ =	shalt  }
0x4e: {  	_ =	shalt  }
0x4f: {  	_ =	shalt  }
0x50: {  	_ =	shalt  }
0x51: {  	_ =	shalt  }
0x52: {  	_ =	shalt  }
0x53: {  	_ =	shalt  }
0x54: {  	_ =	shalt  }
0x55: {  	_ =	shalt  }
0x56: {  	_ =	shalt  }
0x57: {  	_ =	shalt  }
0x58: {  	_ =	shalt  }
0x59: {  	_ =	shalt  }
0x5a: {  	_ =	shalt  }
0x5b: {  	_ =	shalt  }
0x5c: {  	_ =	shalt  }
0x5d: {  	_ =	shalt  }
0x5e: {  	_ =	shalt  }
0x5f: {  	_ =	shalt  }
0x60: {  	_ =	shalt  }
0x61: {  	_ =	shalt  }
0x62: {  	_ =	shalt  }
0x63: {  	_ =	shalt  }
0x64: {  	_ =	shalt  }
0x65: {  	_ =	shalt  }
0x66: {  	_ =	shalt  }
0x67: {  	_ =	shalt  }
0x68: {  	_ =	shalt  }
0x69: {  	_ =	shalt  }
0x6a: {  	_ =	shalt  }
0x6b: {  	_ =	shalt  }
0x6c: {  	_ =	shalt  }
0x6d: {  	_ =	shalt  }
0x6e: {  	_ =	shalt  }
0x6f: {  	_ =	shalt  }
0x70: {  	_ =	shalt  }
0x71: {  	_ =	shalt  }
0x72: {  	_ =	shalt  }
0x73: {  	_ =	shalt  }
0x74: {  	_ =	shalt  }
0x75: {  	_ =	shalt  }
0x76: {  	_ =	shalt  }
0x77: {  	_ =	shalt  }
0x78: {  	_ =	shalt  }
0x79: {  	_ =	shalt  }
0x7a: {  	_ =	shalt  }
0x7b: {  	_ =	shalt  }
0x7c: {  	_ =	shalt  }
0x7d: {  	_ =	shalt  }
0x7e: {  	_ =	shalt  }
0x7f: {  	_ =	shalt  }
0x80: {  	_ =	shalt  }
0x81: {  	_ =	shalt  }
0x82: {  	_ =	shalt  }
0x83: {  	_ =	shalt  }
0x84: {  	_ =	shalt  }
0x85: {  	_ =	shalt  }
0x86: {  	_ =	shalt  }
0x87: {  	_ =	shalt  }
.Lfunc_end0:
.L_simem_size_0:
called_computation.2_lowered:
.L_overlay_start_0:
0x88: {  	s2 =	sld [smem:$0x3FD9]  }
0x89: {  	s3 =	sld [smem:$0x3FFE];
	_ =	sdelay $0x1  }
0x8a: {  	s1 =	srdreg.scid  }
0x8b: {  	s0 =	sand.u32 $0x1, s1  }
0x8c: {  	s17 =	sshll.u32 s0, $0xA;
	s2 =	sadd.s32 s3, s2  }
0x8d: {  	s2 =	sadd.s32 s2, s17  }
0x8e: {  	[smem:$0x3FC0] =	sst s2  }
0x8f: {  	_ = 	snop  }
0x90: {  	s2 =	sld [smem:$0x3FD0];
	(tm) =	ssettm $0x1  }
0x91: {  	s18 =	sld [smem:$0x3FFB];
	_ =	sdelay $0x3  }
0x92: {  	_ =	strace s18  }
0x93: {  	s3 =	sld [smem:$0x3FFC];
	_ =	sdelay $0x3  }
0x94: {  	_ =	strace s3  }
0x95: {  	s3 =	sld [smem:$0x3FFD];
	_ =	sdelay $0x3  }
0x96: {  	_ =	strace s3  }
0x97: {  	_ =	strace $0x8FFFFFFF  }
0x98: {  	s19 =	sld [smem:$0x3FDB];
	_ =	sdelay $0x1  }
0x99: {  	s4 =	simm.s32 $_scs_section_size  }
0x9a: {  	s5 =	simm.s32 $_size__tile_overlayer_lowered;
	s6 =	simm.s32 $_tile_overlayer_lowered  }
0x9b: {  	s22 =	simm.s32 $0x1BFF;
	s21 =	sshll.u32 s6, $0x1;
	s3 =	sadd.s32 s4, s19  }
0x9c: {  	s7 =	simm.s32 $0x0;
	s20 =	sshll.u32 s5, $0x1;
	s5 =	sadd.s32 s21, s3  }
0x9d: {  	[timem:s7], [sflag:s22] =	dma.local [hbm:s5], s20  }
0x9e: {  	_ =	swait.ge [sflag:s22], s20  }
0x9f: {  	s4 =	ssub.s32 $0x0, s20;
	[sflag:s22] =	ssyncset.done $0x0  }
0xa0: {  	[sflag:s22] =	ssyncadd.s32 s4;
	_ =	sdelay $0x1  }
0xa1: {  	s23 =	simm.s32 $0x1B8B  }
0xa2: {  	_ =	swait.ge [sflag:s23], $0x1  }
0xa3: {  	[sflag:s23] =	ssyncset.done $0x0  }
0xa4: {  	s25 =	simm.s32 $0x1B8E;
	s24 =	sld [smem:$0x3FFE];
	[sflag:s23] =	ssyncadd.s32 $0xFFFFFFFF  }
0xa5: {  	s26 =	simm.s32 $execute0_lowered;
	[smem:$0x3FD2] =	sst s25  }
0xa6: {  	s5 =	sshll.u32 s26, $0x1;
	_ =	strace $0x8000004C;
	[dreg:$0x1] =	wrdreg $0xFFFFFFFF  }
0xa7: {  	s28 =	simm.s32 $_size_execute0_lowered;
	s3 =	sadd.s32 s3, s5;
	[dreg:$0x0] =	wrdreg $0x0  }
0xa8: {  	s5 =	sshll.u32 s28, $0x1;
	[dreg:$0x2] =	wrdreg s3  }
0xa9: {  	[dreg:$0x3] =	wrdreg s5  }
0xaa: {  	[dreg:$0x4] =	wrdreg $0xC0  }
0xab: {  	_ =	task [dreg:s7], $0x5FFFF  }
0xac: {  	[dreg:$0x1] =	wrdreg $0xFFFFFFFF  }
0xad: {  	[dreg:$0x0] =	wrdreg $0x60  }
0xae: {  	[dreg:$0x2] =	wrdreg s2  }
0xaf: {  	[dreg:$0x3] =	wrdreg s24  }
0xb0: {  	[dreg:$0x4] =	wrdreg $0x69000  }
0xb1: {  	[dreg:$0x5] =	wrdreg $0x9  }
0xb2: {  	_ =	task.clear_ibuf [dreg:s7], $0x6FFFF;
	_ =	strace $0x9000004C  }
0xb3: {  	s29 =	simm.s32 $0x9;
	_ =	strace $0x8000004E  }
0xb4: {  	_ =	swait.ge [sflag:s29], $0x1  }
0xb5: {  	[sflag:s29] =	ssyncadd.s32 $0xFFFFFFFF  }
0xb6: {  	_ =	strace $0x9000004E  }
0xb7: {  	_ =	sfence  }
0xb8: {  	s30 =	sld [smem:$0x0];
	_ =	sdelay $0x2  }
0xb9: {  	s31 =	sshll.u32 s1, $0xD;
	s1 =	sshrl.u32 s1, $0x2  }
0xba: {  	s3 =	sand.u32 $0x4000, s31;
	s1 =	sadd.s32 s1, s30  }
0xbb: {  	s0 =	sor.u32 s3, s0;
	s1 =	sshll.u32 s1, $0x11  }
0xbc: {  	s0 =	sor.u32 s1, s0  }
0xbd: {  	s0 =	sadd.s32 $0x8F2B, s0  }
0xbe: {  	[sflag:s0] =	ssyncadd.remote.s32 $0x1  }
0xbf: {  	_ =	sfence.sel $0xFFFF  }
0xc0: {  	[dreg:$0x0] =	wrdreg $0xFFFFFFFF;
	(pc) =	sbr.abs _section_cstart, $3  }
0xc1: {  	[dreg:$0x1] =	wrdreg $0xFFFFFFFF  }
0xc2: {  	_ =	task.clear_ibuf [dreg:s7], $0x2FFFF;
	_ =	strace $0x9FFFFFFF  }
0xc3: {  	(tm) =	ssettm $0x7FFFFFFF  }
tec
execute0_lowered:
.L_overlay_start_1:
0x0: {  	(tag) =	ssettag $0x1  }
0x1: {  	s1 =	rddreg [dreg:$0x0]  }
0x2: {  	s2 =	srdreg.scid;
	s5 =	rddreg [dreg:$0x1]  }
0x3: {  	s0 =	stileid.u32;
	s3 =	rddreg [dreg:$0x2]  }
0x4: {  	s4 =	simm.s32 $0x0;
	s14 =	simm.s32 $0x2900;
	s15 =	simm.s32 $0x2  }
0x5: {  	s16 =	simm.s32 $0x80;
	s17 =	simm.s32 $0x50;
	s7 =	smul.u32 $0x4E20, s0  }
0x6: {  	s18 =	simm.s32 $0x100;
	s19 =	simm.s32 $0x1;
	s26 =	smul.u32 $0x14000, s0  }
0x7: {  	s6 =	sand.u32 $0x1, s2;
	s2 =	rddreg [dreg:$0x3];
	s10 =	smul.u32 $0x50000, s0  }
0x8: {  	s22 =	simm.s32 $0x0;
	[smem:$0x7FF] =	sst s4;
	s8 =	smul.u32 $0x2710, s6  }
0x9: {  	s20 =	sshll.u32 s0, $0x6;
	s9 =	smul.u32 $0x140000, s6;
	_ =	strace $0x8000004D  }
0xa: {  	s6 =	ssub.s32 $0x2, s6;
	s20 =	sor.u32 $0x1C02, s20;
	s7 =	sadd.s32 s8, s7  }
0xb: {  	s29 =	sshrl.u32 s6, $0x1;
	s28 =	sadd.s32 s26, s9;
	s7 =	sshrl.u32 s7, $0x3  }
0xc: {  	s11 =	ssub.s32 s6, s29;
	s13 =	sadd.s32 s7, s5;
	s7 =	sshrl.u32 s28, $0x3  }
0xd: {  	s30 =	sshrl.u32 s10, $0x2;
	s11 =	smax.u32 s11, $0x1;
	s31 =	sadd.s32 s7, s5  }
0xe: {  	s5 =	sadd.s32 s30, s3;
	s12 =	sadd.s32 $0xC800, s13;
	s13 =	sadd.s32 $0x2A00, s13  }
0xf: {  	s6 =	sadd.s32 $0x4000, s5;
	s7 =	sadd.s32 $0x8000, s5;
	s8 =	sadd.s32 $0xC000, s5  }
0x10: {  	v0 =	vimm.f32 $0.0e+00;
	s9 =	sadd.s32 $0x10000, s5;
	s10 =	sadd.s32 $0x16600, s31;
	s21 =	sshrl.u32 s5, $0x3  }
.LBB2_1:
0x11: {  	s23 =	simm.s32 $0x0;
	s24 =	simm.s32 $0x200  }
.LBB2_2:
0x12: {  	p0 =	sne.s32 s24, $0xFE00;
	[tilespmem:s23+$0x2970] =	vst v0  }
0x13: {  	[tilespmem:s23+$0x2900] =	vst v0  }
0x14: {  	[tilespmem:s23+$0x2910] =	vst v0  }
.Ltmp0:
0x15: {  	[tilespmem:s23+$0x2920] =	vst v0;
	(pc) =	sbr.rel @p0 .LBB2_2-.Ltmp0, $4  }
0x16: {  	[tilespmem:s23+$0x2930] =	vst v0  }
0x17: {  	[tilespmem:s23+$0x2940] =	vst v0  }
0x18: {  	[tilespmem:s23+$0x2950] =	vst v0  }
0x19: {  	[tilespmem:s23+$0x2960] =	vst v0;
	s23 =	sshra.s32 s24, $0x2;
	s24 =	sadd.s32 $0x200, s24  }
0x1a: {  	[tilespmem:s23+$0x2970] =	vst v0  }
0x1b: {  	[tilespmem:s23+$0x2900] =	vst v0  }
0x1c: {  	[tilespmem:s23+$0x2910] =	vst v0  }
0x1d: {  	[tilespmem:s23+$0x2920] =	vst v0  }
0x1e: {  	[tilespmem:s23+$0x2930] =	vst v0  }
0x1f: {  	[tilespmem:s23+$0x2940] =	vst v0  }
0x20: {  	[tilespmem:s23+$0x2950] =	vst v0  }
0x21: {  	[tilespmem:s23+$0x2960] =	vst v0  }
0x22: {  	[spmem:s5] =	stream.linear.scatter [tilespmem:s14], [sflag:$0x2], $0x4000, $0x38;
	[tilespmem:$0x1A900] =	vst v63  }
0x23: {  	_ =	swait.ge [sflag:s15], $0x4000  }
0x24: {  	[sflag:s15] =	ssyncset.done $0x0  }
0x25: {  	[sflag:s15] =	ssyncadd.s32 $0xFFFFC000  }
0x26: {  	[spmem:s6] =	stream.linear.scatter [tilespmem:s14], [sflag:$0x2], $0x4000, $0x38;
	[tilespmem:$0x1A900] =	vst v63  }
0x27: {  	_ =	swait.ge [sflag:s15], $0x4000  }
0x28: {  	[sflag:s15] =	ssyncset.done $0x0  }
0x29: {  	[sflag:s15] =	ssyncadd.s32 $0xFFFFC000  }
0x2a: {  	[spmem:s7] =	stream.linear.scatter [tilespmem:s14], [sflag:$0x2], $0x4000, $0x38;
	[tilespmem:$0x1A900] =	vst v63  }
0x2b: {  	_ =	swait.ge [sflag:s15], $0x4000  }
0x2c: {  	[sflag:s15] =	ssyncset.done $0x0  }
0x2d: {  	[sflag:s15] =	ssyncadd.s32 $0xFFFFC000  }
0x2e: {  	[spmem:s8] =	stream.linear.scatter [tilespmem:s14], [sflag:$0x2], $0x4000, $0x38;
	[tilespmem:$0x1A900] =	vst v63  }
0x2f: {  	_ =	swait.ge [sflag:s15], $0x4000  }
0x30: {  	[sflag:s15] =	ssyncset.done $0x0  }
0x31: {  	[sflag:s15] =	ssyncadd.s32 $0xFFFFC000  }
0x32: {  	[spmem:s9] =	stream.linear.scatter [tilespmem:s14], [sflag:$0x2], $0x4000, $0x38;
	[tilespmem:$0x1A900] =	vst v63  }
0x33: {  	_ =	swait.ge [sflag:s15], $0x4000  }
0x34: {  	[sflag:s15] =	ssyncset.done $0x0  }
0x35: {  	[sflag:s15] =	ssyncadd.s32 $0xFFFFC000  }
0x36: {  	s30 =	sadd.s32 $0x0, s13;
	[bflag:$0x0] =	sbarrier.arrive $0xFFFF  }
0x37: {  	[tilespmem:s4], [sflag:$0x2] =	stream.linear.gather [hbm4b:s30+s4], $0x50, $0x38;
	[tilespmem:$0x1A900] =	vst v63  }
0x38: {  	_ =	swait.ge [sflag:s15], $0x50  }
0x39: {  	[sflag:s15] =	ssyncset.done $0x0  }
0x3a: {  	s31 =	sadd.s32 $0x0, s12;
	[sflag:s15] =	ssyncadd.s32 $0xFFFFFFB0  }
0x3b: {  	[tilespmem:s16], [sflag:$0x2] =	stream.linear.gather [hbm4b:s31+s4], $0x50, $0x38;
	[tilespmem:$0x1A900] =	vst v63  }
0x3c: {  	_ =	swait.ge [sflag:s15], $0x50  }
0x3d: {  	[sflag:s15] =	ssyncset.done $0x0  }
0x3e: {  	[sflag:s15] =	ssyncadd.s32 $0xFFFFFFB0  }
0x3f: {  	[tilespmem:s18], [sflag:$0x1] =	stream.indirect.gather [hbm4b:s1+s17], $0x80, s4, s17, $0xb8;
	[tilespmem:$0x1A900] =	vst v63  }
0x40: {  	_ =	swait.ge [sflag:s19], $0x2800  }
0x41: {  	[sflag:s19] =	ssyncset.done $0x0  }
0x42: {  	[sflag:s19] =	ssyncadd.s32 $0xFFFFD800  }
0x43: {  	[spmem:s3] =	stream.indirect.scatter.add.f32 [tilespmem:s18], [sflag:$0x2], $0x80, s16, s17, $0xb8;
	[tilespmem:$0x1A900] =	vst v63  }
0x44: {  	_ =	swait.ge [sflag:s15], $0x2800  }
0x45: {  	s23 =	simm.s32 $0xA;
	s24 =	simm.s32 $0x14;
	[sflag:s15] =	ssyncset.done $0x0  }
.LBB2_4:
0x46: {  	s25 =	sadd.s32 s23, s13  }
0x47: {  	[sflag:s15] =	ssyncadd.s32 $0xFFFFD800;
	s26 =	smov.u32 s24;
	s28 =	sadd.s32 $0xA, s24  }
0x48: {  	[tilespmem:s4], [sflag:$0x2] =	stream.linear.gather [hbm4b:s25+s4], $0x50, $0x38;
	[tilespmem:$0x1A900] =	vst v63  }
0x49: {  	p0 =	sne.s32 s24, $0x4D8;
	_ =	swait.ge [sflag:s15], $0x50  }
0x4a: {  	[sflag:s15] =	ssyncset.done $0x0  }
0x4b: {  	s24 =	sadd.s32 s23, s12;
	s23 =	smov.u32 s26;
	[sflag:s15] =	ssyncadd.s32 $0xFFFFFFB0  }
0x4c: {  	[tilespmem:s16], [sflag:$0x2] =	stream.linear.gather [hbm4b:s24+s4], $0x50, $0x38;
	[tilespmem:$0x1A900] =	vst v63  }
0x4d: {  	_ =	swait.ge [sflag:s15], $0x50  }
0x4e: {  	[sflag:s15] =	ssyncset.done $0x0  }
0x4f: {  	[sflag:s15] =	ssyncadd.s32 $0xFFFFFFB0  }
0x50: {  	[tilespmem:s18], [sflag:$0x1] =	stream.indirect.gather [hbm4b:s1+s17], $0x80, s4, s17, $0xb8;
	[tilespmem:$0x1A900] =	vst v63  }
0x51: {  	_ =	swait.ge [sflag:s19], $0x2800  }
.Ltmp1:
0x52: {  	[sflag:s19] =	ssyncset.done $0x0;
	(pc) =	sbr.rel @p0 .LBB2_4-.Ltmp1, $4  }
0x53: {  	[sflag:s19] =	ssyncadd.s32 $0xFFFFD800  }
0x54: {  	[spmem:s3] =	stream.indirect.scatter.add.f32 [tilespmem:s18], [sflag:$0x2], $0x80, s16, s17, $0xb8;
	[tilespmem:$0x1A900] =	vst v63  }
0x55: {  	_ =	swait.ge [sflag:s15], $0x2800  }
0x56: {  	s24 =	smov.u32 s28;
	[sflag:s15] =	ssyncset.done $0x0  }
0x57: {  	s24 =	sadd.s32 s23, s13;
	[sflag:s15] =	ssyncadd.s32 $0xFFFFD800  }
0x58: {  	[tilespmem:s4], [sflag:$0x2] =	stream.linear.gather [hbm4b:s24+s4], $0x50, $0x38;
	[tilespmem:$0x1A900] =	vst v63  }
0x59: {  	_ =	swait.ge [sflag:s15], $0x50  }
0x5a: {  	[sflag:s15] =	ssyncset.done $0x0  }
0x5b: {  	s31 =	sadd.s32 s23, s12;
	[sflag:s15] =	ssyncadd.s32 $0xFFFFFFB0  }
0x5c: {  	[tilespmem:s16], [sflag:$0x2] =	stream.linear.gather [hbm4b:s31+s4], $0x50, $0x38;
	[tilespmem:$0x1A900] =	vst v63  }
0x5d: {  	_ =	swait.ge [sflag:s15], $0x50  }
0x5e: {  	[sflag:s15] =	ssyncset.done $0x0  }
0x5f: {  	[sflag:s15] =	ssyncadd.s32 $0xFFFFFFB0  }
0x60: {  	[tilespmem:s18], [sflag:$0x1] =	stream.indirect.gather [hbm4b:s1+s17], $0x80, s4, s17, $0xb8;
	[tilespmem:$0x1A900] =	vst v63  }
0x61: {  	_ =	swait.ge [sflag:s19], $0x2800  }
0x62: {  	[sflag:s19] =	ssyncset.done $0x0  }
0x63: {  	[sflag:s19] =	ssyncadd.s32 $0xFFFFD800  }
0x64: {  	[spmem:s3] =	stream.indirect.scatter.add.f32 [tilespmem:s18], [sflag:$0x2], $0x80, s16, s17, $0xb8;
	[tilespmem:$0x1A900] =	vst v63  }
0x65: {  	_ =	swait.ge [sflag:s15], $0x2800  }
0x66: {  	s22 =	sadd.s32 $0x1, s22;
	[sflag:s15] =	ssyncset.done $0x0  }
0x67: {  	p0 =	sne.s32 s22, s11;
	[sflag:s15] =	ssyncadd.s32 $0xFFFFD800  }
.Ltmp2:
0x68: {  	[bflag:$0x0] =	sbarrier.arrive $0xFFFF;
	(pc) =	sbr.rel @p0 .LBB2_1-.Ltmp2, $4  }
0x69: {  	[hbm:s10], [sflag:s20] =	dma.local [spmem:s21], $0x2800  }
0x6a: {  	_ =	swait.ge [sflag:s15], $0x2800  }
0x6b: {  	[sflag:s15] =	ssyncset.done $0x0  }
0x6c: {  	[sflag:s15] =	ssyncadd.s32 $0xFFFFD800  }
0x6d: {  	_ =	sfence.sel $0x180000  }
0x6e: {  	[bflag:$0x0] =	sbarrier.arrive $0xFFFF  }
0x6f: {  	p0 =	sne.s32 s0, $0x0;
	_ =	strace $0x9000004D  }
0x70: {  	s0 =	sadd.s32 @!p0 $0x100000, s2;
	[bflag:$0x2] =	sbarrier.arrive $0xFFFF  }
0x71: {  	[sflag:s0] =	ssyncadd.tile.s32 @!p0 $0x1;
	_ =	shalt  }
.Lfunc_end2:
_tile_overlayer_lowered:
.L_overlay_start_2:
0x72: {  	(tag) =	ssettag $0x2  }
0x73: {  	s0 =	rddreg [dreg:$0x0];
	s2 =	stileid.u32  }
0x74: {  	s1 =	rddreg [dreg:$0x1];
	p0 =	sne.s32 s2, $0x0  }
0x75: {  	s3 =	rddreg [dreg:$0x2];
	[bflag:$0x3] =	sbarrier.arrive $0xFFFF;
	s2 =	simm.s32 @!p0 $0x1C02  }
0x76: {  	[timem:s3], [sflag:s2] =	dma.local @!p0 [hbm:s0], s1  }
0x77: {  	s0 =	simm.s32 @!p0 $0x2  }
0x78: {  	_ =	swait.ge @!p0 [sflag:s0], s1  }
0x79: {  	s1 =	ssub.s32 @!p0 $0x0, s1;
	[sflag:s0] =	ssyncset.done @!p0 $0x0  }
0x7a: {  	[sflag:s0] =	ssyncadd.s32 @!p0 s1  }
0x7b: {  	[bflag:$0x3] =	sbarrier.arrive $0xFFFF  }
0x7c: {  	_ =	shalt  }

// kernel: kernel.20.cloned.1.call-start
scs
__scs_entry_jumppad:
0x0: {  	(pc) =	sbr.rel $0x88, $3  }
0x1: {  	(tag) =	ssettag $0x0;
	lr =	simm.s32 $0x1  }
0x2: {  	[smem:$0x3F99] =	sst lr;
	_ =	strace $0xD0000000  }
0x3: {  	_ = 	snop  }
0x4: {  	_ = 	snop  }
0x5: {  	_ = 	snop  }
0x6: {  	_ = 	snop  }
0x7: {  	_ = 	snop  }
__scs_overlays_trampoline_lowered:
0x8: {  	[smem:$0x3FA8] =	sst s0  }
0x9: {  	[smem:$0x3FA9] =	sst s1  }
0xa: {  	[smem:$0x3FAA] =	sst s2  }
0xb: {  	[smem:$0x3FAB] =	sst s3  }
0xc: {  	[smem:$0x3FAC] =	sst s4  }
0xd: {  	[smem:$0x3FAD] =	sst s5  }
0xe: {  	[smem:$0x3FAE] =	sst s6  }
0xf: {  	[smem:$0x3FAF] =	sst s7  }
0x10: {  	[smem:$0x3FB0] =	sst s8  }
0x11: {  	[smem:$0x3FB1] =	sst s9;
	s0 =	simm.s32 @!p0 $0x0  }
0x12: {  	s1 =	sld [smem:$0x3F97];
	s0 =	simm.s32 @p0 $0x1  }
0x13: {  	[smem:$0x3FB2] =	sst s0;
	s0 =	simm.s32 @!p1 $0x0  }
0x14: {  	s2 =	sld [smem:$0x3F96];
	s0 =	simm.s32 @p1 $0x1  }
0x15: {  	[smem:$0x3FB3] =	sst s0;
	s0 =	simm.s32 @!p2 $0x0  }
0x16: {  	s3 =	sld [smem:$0x3FDB];
	s0 =	simm.s32 @p2 $0x1  }
0x17: {  	s4 =	simm.s32 $0x1BF5;
	[smem:$0x3FB5] =	sst s0  }
0x18: {  	s0 =	sld [smem:$0x3F98];
	_ =	swait.ge [sflag:s4], $0x0  }
0x19: {  	s7 =	sld [smem:$0x3F99]  }
0x1a: {  	s8 =	sadd.s32 $0xFFFFE003, lr  }
0x1b: {  	s9 =	sadd.s32 $0xFFFFFEF7, lr;
	s5 =	simm.s32 $0xFFFFFFFF;
	p2 =	slt.u32 s8, $0xFFFFF086  }
0x1c: {  	p1 =	slt.u32 s9, $0xF7A;
	s5 =	simm.s32 @!p2 $0x0  }
0x1d: {  	s5 =	simm.s32 @p1 $0x1;
	p0 =	seq.s32 s7, s2  }
0x1e: {  	s7 =	smul.u32 @!p0 $0xF7A, s2;
	p2 =	seq.s32 @!p0 s5, $0x0  }
0x1f: {  	s9 =	smul.u32 $0xF7A, s1;
	s8 =	simm.s32 @!p0 $0x1BF5;
	p2 =	por !p2, p0  }
0x20: {  	[sflag:s8] =	ssyncset.s32 @!p0 $0xFFFFF086;
	s6 =	sadd.s32 @!p0 s3, s7;
	s7 =	simm.s32 @!p0 $0x108  }
0x21: {  	s3 =	sadd.s32 s3, s9;
	s6 =	sadd.s32 @!p0 $0x88, s6;
	s7 =	simm.s32 @p2 $0x1082  }
0x22: {  	[simem:s7], [sflag:s8] =	dma.local @!p0 [hbm:s6], $0xF7A  }
0x23: {  	s9 =	sor.u32 $0xD0000000, s2;
	s6 =	simm.s32 $0x108;
	_ =	swait.ge @!p0 [sflag:s8], $0x0  }
0x24: {  	s3 =	sadd.s32 $0x88, s3;
	s6 =	simm.s32 @!p1 $0x1082;
	[sflag:s4] =	ssyncset.s32 $0xFFFFF086  }
0x25: {  	[simem:s6], [sflag:s4] =	dma.local [hbm:s3], $0xF7A  }
0x26: {  	[smem:$0x3F99] =	sst s1;
	(tag) =	ssettag s2;
	_ =	strace s9  }
0x27: {  	s1 =	sld [smem:$0x3FA9]  }
0x28: {  	s2 =	sld [smem:$0x3FAA]  }
0x29: {  	s4 =	sld [smem:$0x3FAC]  }
0x2a: {  	p0 =	seq.s32 s5, $0x0;
	s5 =	sld [smem:$0x3FAD]  }
0x2b: {  	s6 =	sld [smem:$0x3FAE]  }
0x2c: {  	s7 =	sld [smem:$0x3FAF]  }
0x2d: {  	s3 =	simm.s32 $0x108;
	s8 =	sld [smem:$0x3FB0]  }
0x2e: {  	s3 =	simm.s32 @!p0 $0x1082;
	s9 =	sld [smem:$0x3FB1]  }
0x2f: {  	lr =	sadd.s32 s0, s3;
	s0 =	sld [smem:$0x3FA8]  }
0x30: {  	s3 =	sld [smem:$0x3FAB]  }
0x31: {  	[smem:$0x3FB4] =	sst s10  }
0x32: {  	s10 =	sld [smem:$0x3FB2];
	_ =	sdelay $0x3  }
0x33: {  	p0 =	seq.s32 s10, $0x1;
	s10 =	sld [smem:$0x3FB4];
	_ =	sdelay $0x3  }
0x34: {  	[smem:$0x3FB4] =	sst s10  }
0x35: {  	s10 =	sld [smem:$0x3FB3];
	_ =	sdelay $0x3  }
0x36: {  	p1 =	seq.s32 s10, $0x1;
	s10 =	sld [smem:$0x3FB4];
	_ =	sdelay $0x3  }
0x37: {  	[smem:$0x3FB4] =	sst s10  }
0x38: {  	s10 =	sld [smem:$0x3FB5]  }
0x39: {  	_ = 	snop;
	(pc) =	sbr.ind lr, $3  }
0x3a: {  	_ = 	snop  }
0x3b: {  	_ = 	snop  }
0x3c: {  	p2 =	seq.s32 s10, $0x1;
	s10 =	sld [smem:$0x3FB4]  }
0x3d: {  	_ =	shalt  }
0x3e: {  	_ =	shalt  }
0x3f: {  	_ =	shalt  }
0x40: {  	_ =	shalt  }
0x41: {  	_ =	shalt  }
0x42: {  	_ =	shalt  }
0x43: {  	_ =	shalt  }
0x44: {  	_ =	shalt  }
0x45: {  	_ =	shalt  }
0x46: {  	_ =	shalt  }
0x47: {  	_ =	shalt  }
0x48: {  	_ =	shalt  }
0x49: {  	_ =	shalt  }
0x4a: {  	_ =	shalt  }
0x4b: {  	_ =	shalt  }
0x4c: {  	_ =	shalt  }
0x4d: {  	_ =	shalt  }
0x4e: {  	_ =	shalt  }
0x4f: {  	_ =	shalt  }
0x50: {  	_ =	shalt  }
0x51: {  	_ =	shalt  }
0x52: {  	_ =	shalt  }
0x53: {  	_ =	shalt  }
0x54: {  	_ =	shalt  }
0x55: {  	_ =	shalt  }
0x56: {  	_ =	shalt  }
0x57: {  	_ =	shalt  }
0x58: {  	_ =	shalt  }
0x59: {  	_ =	shalt  }
0x5a: {  	_ =	shalt  }
0x5b: {  	_ =	shalt  }
0x5c: {  	_ =	shalt  }
0x5d: {  	_ =	shalt  }
0x5e: {  	_ =	shalt  }
0x5f: {  	_ =	shalt  }
0x60: {  	_ =	shalt  }
0x61: {  	_ =	shalt  }
0x62: {  	_ =	shalt  }
0x63: {  	_ =	shalt  }
0x64: {  	_ =	shalt  }
0x65: {  	_ =	shalt  }
0x66: {  	_ =	shalt  }
0x67: {  	_ =	shalt  }
0x68: {  	_ =	shalt  }
0x69: {  	_ =	shalt  }
0x6a: {  	_ =	shalt  }
0x6b: {  	_ =	shalt  }
0x6c: {  	_ =	shalt  }
0x6d: {  	_ =	shalt  }
0x6e: {  	_ =	shalt  }
0x6f: {  	_ =	shalt  }
0x70: {  	_ =	shalt  }
0x71: {  	_ =	shalt  }
0x72: {  	_ =	shalt  }
0x73: {  	_ =	shalt  }
0x74: {  	_ =	shalt  }
0x75: {  	_ =	shalt  }
0x76: {  	_ =	shalt  }
0x77: {  	_ =	shalt  }
0x78: {  	_ =	shalt  }
0x79: {  	_ =	shalt  }
0x7a: {  	_ =	shalt  }
0x7b: {  	_ =	shalt  }
0x7c: {  	_ =	shalt  }
0x7d: {  	_ =	shalt  }
0x7e: {  	_ =	shalt  }
0x7f: {  	_ =	shalt  }
0x80: {  	_ =	shalt  }
0x81: {  	_ =	shalt  }
0x82: {  	_ =	shalt  }
0x83: {  	_ =	shalt  }
0x84: {  	_ =	shalt  }
0x85: {  	_ =	shalt  }
0x86: {  	_ =	shalt  }
0x87: {  	_ =	shalt  }
.Lfunc_end0:
.L_simem_size_0:
called_computation.3_lowered:
.L_overlay_start_0:
0x88: {  	s2 =	sld [smem:$0x3FD9]  }
0x89: {  	s3 =	sld [smem:$0x3FFE];
	_ =	sdelay $0x1  }
0x8a: {  	s1 =	srdreg.scid  }
0x8b: {  	s0 =	sand.u32 $0x1, s1  }
0x8c: {  	s17 =	sshll.u32 s0, $0xA;
	s2 =	sadd.s32 s3, s2  }
0x8d: {  	s2 =	sadd.s32 s2, s17  }
0x8e: {  	[smem:$0x3FC0] =	sst s2  }
0x8f: {  	_ = 	snop  }
0x90: {  	s2 =	sld [smem:$0x3FD0];
	(tm) =	ssettm $0x1  }
0x91: {  	s18 =	sld [smem:$0x3FFB];
	_ =	sdelay $0x3  }
0x92: {  	_ =	strace s18  }
0x93: {  	s3 =	sld [smem:$0x3FFC];
	_ =	sdelay $0x3  }
0x94: {  	_ =	strace s3  }
0x95: {  	s3 =	sld [smem:$0x3FFD];
	_ =	sdelay $0x3  }
0x96: {  	_ =	strace s3  }
0x97: {  	_ =	strace $0x8FFFFFFF  }
0x98: {  	s19 =	sld [smem:$0x3FDB];
	_ =	sdelay $0x1  }
0x99: {  	s4 =	simm.s32 $_scs_section_size  }
0x9a: {  	s5 =	simm.s32 $_size__tile_overlayer_lowered;
	s6 =	simm.s32 $_tile_overlayer_lowered  }
0x9b: {  	s22 =	simm.s32 $0x1BFF;
	s21 =	sshll.u32 s6, $0x1;
	s3 =	sadd.s32 s4, s19  }
0x9c: {  	s7 =	simm.s32 $0x0;
	s20 =	sshll.u32 s5, $0x1;
	s5 =	sadd.s32 s21, s3  }
0x9d: {  	[timem:s7], [sflag:s22] =	dma.local [hbm:s5], s20  }
0x9e: {  	_ =	swait.ge [sflag:s22], s20  }
0x9f: {  	s4 =	ssub.s32 $0x0, s20;
	[sflag:s22] =	ssyncset.done $0x0  }
0xa0: {  	[sflag:s22] =	ssyncadd.s32 s4;
	_ =	sdelay $0x1  }
0xa1: {  	s23 =	simm.s32 $0x1B8B  }
0xa2: {  	_ =	swait.ge [sflag:s23], $0x1  }
0xa3: {  	[sflag:s23] =	ssyncset.done $0x0  }
0xa4: {  	s25 =	simm.s32 $0x1B8E;
	s24 =	sld [smem:$0x3FFE];
	[sflag:s23] =	ssyncadd.s32 $0xFFFFFFFF  }
0xa5: {  	s26 =	simm.s32 $execute0_lowered;
	[smem:$0x3FD2] =	sst s25  }
0xa6: {  	s5 =	sshll.u32 s26, $0x1;
	_ =	strace $0x8000004F;
	[dreg:$0x1] =	wrdreg $0xFFFFFFFF  }
0xa7: {  	s28 =	simm.s32 $_size_execute0_lowered;
	s3 =	sadd.s32 s3, s5;
	[dreg:$0x0] =	wrdreg $0x0  }
0xa8: {  	s5 =	sshll.u32 s28, $0x1;
	[dreg:$0x2] =	wrdreg s3  }
0xa9: {  	[dreg:$0x3] =	wrdreg s5  }
0xaa: {  	[dreg:$0x4] =	wrdreg $0xC0  }
0xab: {  	_ =	task [dreg:s7], $0x5FFFF  }
0xac: {  	[dreg:$0x1] =	wrdreg $0xFFFFFFFF  }
0xad: {  	[dreg:$0x0] =	wrdreg $0x60  }
0xae: {  	[dreg:$0x2] =	wrdreg s2  }
0xaf: {  	[dreg:$0x3] =	wrdreg s24  }
0xb0: {  	[dreg:$0x4] =	wrdreg $0x69000  }
0xb1: {  	[dreg:$0x5] =	wrdreg $0x9  }
0xb2: {  	_ =	task.clear_ibuf [dreg:s7], $0x6FFFF;
	_ =	strace $0x9000004F  }
0xb3: {  	s29 =	simm.s32 $0x9;
	_ =	strace $0x80000051  }
0xb4: {  	_ =	swait.ge [sflag:s29], $0x1  }
0xb5: {  	[sflag:s29] =	ssyncadd.s32 $0xFFFFFFFF  }
0xb6: {  	_ =	strace $0x90000051  }
0xb7: {  	_ =	sfence  }
0xb8: {  	s30 =	sld [smem:$0x0];
	_ =	sdelay $0x2  }
0xb9: {  	s31 =	sshll.u32 s1, $0xD;
	s1 =	sshrl.u32 s1, $0x2  }
0xba: {  	s3 =	sand.u32 $0x4000, s31;
	s1 =	sadd.s32 s1, s30  }
0xbb: {  	s0 =	sor.u32 s3, s0;
	s1 =	sshll.u32 s1, $0x11  }
0xbc: {  	s0 =	sor.u32 s1, s0  }
0xbd: {  	s0 =	sadd.s32 $0x8F2B, s0  }
0xbe: {  	[sflag:s0] =	ssyncadd.remote.s32 $0x1  }
0xbf: {  	_ =	sfence.sel $0xFFFF  }
0xc0: {  	[dreg:$0x0] =	wrdreg $0xFFFFFFFF;
	(pc) =	sbr.abs _section_cstart, $3  }
0xc1: {  	[dreg:$0x1] =	wrdreg $0xFFFFFFFF  }
0xc2: {  	_ =	task.clear_ibuf [dreg:s7], $0x2FFFF;
	_ =	strace $0x9FFFFFFF  }
0xc3: {  	(tm) =	ssettm $0x7FFFFFFF  }
tec
execute0_lowered:
.L_overlay_start_1:
0x0: {  	(tag) =	ssettag $0x1  }
0x1: {  	s1 =	rddreg [dreg:$0x0]  }
0x2: {  	s2 =	srdreg.scid;
	s5 =	rddreg [dreg:$0x1]  }
0x3: {  	s0 =	stileid.u32;
	s3 =	rddreg [dreg:$0x2]  }
0x4: {  	s4 =	simm.s32 $0x0;
	s14 =	simm.s32 $0x2900;
	s15 =	simm.s32 $0x2  }
0x5: {  	s16 =	simm.s32 $0x80;
	s17 =	simm.s32 $0x50;
	s7 =	smul.u32 $0x4E20, s0  }
0x6: {  	s18 =	simm.s32 $0x100;
	s19 =	simm.s32 $0x1;
	s26 =	smul.u32 $0x14000, s0  }
0x7: {  	s6 =	sand.u32 $0x1, s2;
	s2 =	rddreg [dreg:$0x3];
	s10 =	smul.u32 $0x50000, s0  }
0x8: {  	s22 =	simm.s32 $0x0;
	[smem:$0x7FF] =	sst s4;
	s8 =	smul.u32 $0x2710, s6  }
0x9: {  	s20 =	sshll.u32 s0, $0x6;
	s9 =	smul.u32 $0x140000, s6;
	_ =	strace $0x80000050  }
0xa: {  	s6 =	ssub.s32 $0x2, s6;
	s20 =	sor.u32 $0x1C02, s20;
	s7 =	sadd.s32 s8, s7  }
0xb: {  	s29 =	sshrl.u32 s6, $0x1;
	s28 =	sadd.s32 s26, s9;
	s7 =	sshrl.u32 s7, $0x3  }
0xc: {  	s11 =	ssub.s32 s6, s29;
	s13 =	sadd.s32 s7, s5;
	s7 =	sshrl.u32 s28, $0x3  }
0xd: {  	s30 =	sshrl.u32 s10, $0x2;
	s11 =	smax.u32 s11, $0x1;
	s31 =	sadd.s32 s7, s5  }
0xe: {  	s5 =	sadd.s32 s30, s3;
	s12 =	sadd.s32 $0xC800, s13;
	s13 =	sadd.s32 $0x2A00, s13  }
0xf: {  	s6 =	sadd.s32 $0x4000, s5;
	s7 =	sadd.s32 $0x8000, s5;
	s8 =	sadd.s32 $0xC000, s5  }
0x10: {  	v0 =	vimm.f32 $0.0e+00;
	s9 =	sadd.s32 $0x10000, s5;
	s10 =	sadd.s32 $0x16600, s31;
	s21 =	sshrl.u32 s5, $0x3  }
.LBB2_1:
0x11: {  	s23 =	simm.s32 $0x0;
	s24 =	simm.s32 $0x200  }
.LBB2_2:
0x12: {  	p0 =	sne.s32 s24, $0xFE00;
	[tilespmem:s23+$0x2970] =	vst v0  }
0x13: {  	[tilespmem:s23+$0x2900] =	vst v0  }
0x14: {  	[tilespmem:s23+$0x2910] =	vst v0  }
.Ltmp0:
0x15: {  	[tilespmem:s23+$0x2920] =	vst v0;
	(pc) =	sbr.rel @p0 .LBB2_2-.Ltmp0, $4  }
0x16: {  	[tilespmem:s23+$0x2930] =	vst v0  }
0x17: {  	[tilespmem:s23+$0x2940] =	vst v0  }
0x18: {  	[tilespmem:s23+$0x2950] =	vst v0  }
0x19: {  	[tilespmem:s23+$0x2960] =	vst v0;
	s23 =	sshra.s32 s24, $0x2;
	s24 =	sadd.s32 $0x200, s24  }
0x1a: {  	[tilespmem:s23+$0x2970] =	vst v0  }
0x1b: {  	[tilespmem:s23+$0x2900] =	vst v0  }
0x1c: {  	[tilespmem:s23+$0x2910] =	vst v0  }
0x1d: {  	[tilespmem:s23+$0x2920] =	vst v0  }
0x1e: {  	[tilespmem:s23+$0x2930] =	vst v0  }
0x1f: {  	[tilespmem:s23+$0x2940] =	vst v0  }
0x20: {  	[tilespmem:s23+$0x2950] =	vst v0  }
0x21: {  	[tilespmem:s23+$0x2960] =	vst v0  }
0x22: {  	[spmem:s5] =	stream.linear.scatter [tilespmem:s14], [sflag:$0x2], $0x4000, $0x38;
	[tilespmem:$0x1A900] =	vst v63  }
0x23: {  	_ =	swait.ge [sflag:s15], $0x4000  }
0x24: {  	[sflag:s15] =	ssyncset.done $0x0  }
0x25: {  	[sflag:s15] =	ssyncadd.s32 $0xFFFFC000  }
0x26: {  	[spmem:s6] =	stream.linear.scatter [tilespmem:s14], [sflag:$0x2], $0x4000, $0x38;
	[tilespmem:$0x1A900] =	vst v63  }
0x27: {  	_ =	swait.ge [sflag:s15], $0x4000  }
0x28: {  	[sflag:s15] =	ssyncset.done $0x0  }
0x29: {  	[sflag:s15] =	ssyncadd.s32 $0xFFFFC000  }
0x2a: {  	[spmem:s7] =	stream.linear.scatter [tilespmem:s14], [sflag:$0x2], $0x4000, $0x38;
	[tilespmem:$0x1A900] =	vst v63  }
0x2b: {  	_ =	swait.ge [sflag:s15], $0x4000  }
0x2c: {  	[sflag:s15] =	ssyncset.done $0x0  }
0x2d: {  	[sflag:s15] =	ssyncadd.s32 $0xFFFFC000  }
0x2e: {  	[spmem:s8] =	stream.linear.scatter [tilespmem:s14], [sflag:$0x2], $0x4000, $0x38;
	[tilespmem:$0x1A900] =	vst v63  }
0x2f: {  	_ =	swait.ge [sflag:s15], $0x4000  }
0x30: {  	[sflag:s15] =	ssyncset.done $0x0  }
0x31: {  	[sflag:s15] =	ssyncadd.s32 $0xFFFFC000  }
0x32: {  	[spmem:s9] =	stream.linear.scatter [tilespmem:s14], [sflag:$0x2], $0x4000, $0x38;
	[tilespmem:$0x1A900] =	vst v63  }
0x33: {  	_ =	swait.ge [sflag:s15], $0x4000  }
0x34: {  	[sflag:s15] =	ssyncset.done $0x0  }
0x35: {  	[sflag:s15] =	ssyncadd.s32 $0xFFFFC000  }
0x36: {  	s30 =	sadd.s32 $0x0, s13;
	[bflag:$0x0] =	sbarrier.arrive $0xFFFF  }
0x37: {  	[tilespmem:s4], [sflag:$0x2] =	stream.linear.gather [hbm4b:s30+s4], $0x50, $0x38;
	[tilespmem:$0x1A900] =	vst v63  }
0x38: {  	_ =	swait.ge [sflag:s15], $0x50  }
0x39: {  	[sflag:s15] =	ssyncset.done $0x0  }
0x3a: {  	s31 =	sadd.s32 $0x0, s12;
	[sflag:s15] =	ssyncadd.s32 $0xFFFFFFB0  }
0x3b: {  	[tilespmem:s16], [sflag:$0x2] =	stream.linear.gather [hbm4b:s31+s4], $0x50, $0x38;
	[tilespmem:$0x1A900] =	vst v63  }
0x3c: {  	_ =	swait.ge [sflag:s15], $0x50  }
0x3d: {  	[sflag:s15] =	ssyncset.done $0x0  }
0x3e: {  	[sflag:s15] =	ssyncadd.s32 $0xFFFFFFB0  }
0x3f: {  	[tilespmem:s18], [sflag:$0x1] =	stream.indirect.gather [hbm4b:s1+s17], $0x80, s4, s17, $0xb8;
	[tilespmem:$0x1A900] =	vst v63  }
0x40: {  	_ =	swait.ge [sflag:s19], $0x2800  }
0x41: {  	[sflag:s19] =	ssyncset.done $0x0  }
0x42: {  	[sflag:s19] =	ssyncadd.s32 $0xFFFFD800  }
0x43: {  	[spmem:s3] =	stream.indirect.scatter.add.f32 [tilespmem:s18], [sflag:$0x2], $0x80, s16, s17, $0xb8;
	[tilespmem:$0x1A900] =	vst v63  }
0x44: {  	_ =	swait.ge [sflag:s15], $0x2800  }
0x45: {  	s23 =	simm.s32 $0xA;
	s24 =	simm.s32 $0x14;
	[sflag:s15] =	ssyncset.done $0x0  }
.LBB2_4:
0x46: {  	s25 =	sadd.s32 s23, s13  }
0x47: {  	[sflag:s15] =	ssyncadd.s32 $0xFFFFD800;
	s26 =	smov.u32 s24;
	s28 =	sadd.s32 $0xA, s24  }
0x48: {  	[tilespmem:s4], [sflag:$0x2] =	stream.linear.gather [hbm4b:s25+s4], $0x50, $0x38;
	[tilespmem:$0x1A900] =	vst v63  }
0x49: {  	p0 =	sne.s32 s24, $0x4D8;
	_ =	swait.ge [sflag:s15], $0x50  }
0x4a: {  	[sflag:s15] =	ssyncset.done $0x0  }
0x4b: {  	s24 =	sadd.s32 s23, s12;
	s23 =	smov.u32 s26;
	[sflag:s15] =	ssyncadd.s32 $0xFFFFFFB0  }
0x4c: {  	[tilespmem:s16], [sflag:$0x2] =	stream.linear.gather [hbm4b:s24+s4], $0x50, $0x38;
	[tilespmem:$0x1A900] =	vst v63  }
0x4d: {  	_ =	swait.ge [sflag:s15], $0x50  }
0x4e: {  	[sflag:s15] =	ssyncset.done $0x0  }
0x4f: {  	[sflag:s15] =	ssyncadd.s32 $0xFFFFFFB0  }
0x50: {  	[tilespmem:s18], [sflag:$0x1] =	stream.indirect.gather [hbm4b:s1+s17], $0x80, s4, s17, $0xb8;
	[tilespmem:$0x1A900] =	vst v63  }
0x51: {  	_ =	swait.ge [sflag:s19], $0x2800  }
.Ltmp1:
0x52: {  	[sflag:s19] =	ssyncset.done $0x0;
	(pc) =	sbr.rel @p0 .LBB2_4-.Ltmp1, $4  }
0x53: {  	[sflag:s19] =	ssyncadd.s32 $0xFFFFD800  }
0x54: {  	[spmem:s3] =	stream.indirect.scatter.add.f32 [tilespmem:s18], [sflag:$0x2], $0x80, s16, s17, $0xb8;
	[tilespmem:$0x1A900] =	vst v63  }
0x55: {  	_ =	swait.ge [sflag:s15], $0x2800  }
0x56: {  	s24 =	smov.u32 s28;
	[sflag:s15] =	ssyncset.done $0x0  }
0x57: {  	s24 =	sadd.s32 s23, s13;
	[sflag:s15] =	ssyncadd.s32 $0xFFFFD800  }
0x58: {  	[tilespmem:s4], [sflag:$0x2] =	stream.linear.gather [hbm4b:s24+s4], $0x50, $0x38;
	[tilespmem:$0x1A900] =	vst v63  }
0x59: {  	_ =	swait.ge [sflag:s15], $0x50  }
0x5a: {  	[sflag:s15] =	ssyncset.done $0x0  }
0x5b: {  	s31 =	sadd.s32 s23, s12;
	[sflag:s15] =	ssyncadd.s32 $0xFFFFFFB0  }
0x5c: {  	[tilespmem:s16], [sflag:$0x2] =	stream.linear.gather [hbm4b:s31+s4], $0x50, $0x38;
	[tilespmem:$0x1A900] =	vst v63  }
0x5d: {  	_ =	swait.ge [sflag:s15], $0x50  }
0x5e: {  	[sflag:s15] =	ssyncset.done $0x0  }
0x5f: {  	[sflag:s15] =	ssyncadd.s32 $0xFFFFFFB0  }
0x60: {  	[tilespmem:s18], [sflag:$0x1] =	stream.indirect.gather [hbm4b:s1+s17], $0x80, s4, s17, $0xb8;
	[tilespmem:$0x1A900] =	vst v63  }
0x61: {  	_ =	swait.ge [sflag:s19], $0x2800  }
0x62: {  	[sflag:s19] =	ssyncset.done $0x0  }
0x63: {  	[sflag:s19] =	ssyncadd.s32 $0xFFFFD800  }
0x64: {  	[spmem:s3] =	stream.indirect.scatter.add.f32 [tilespmem:s18], [sflag:$0x2], $0x80, s16, s17, $0xb8;
	[tilespmem:$0x1A900] =	vst v63  }
0x65: {  	_ =	swait.ge [sflag:s15], $0x2800  }
0x66: {  	s22 =	sadd.s32 $0x1, s22;
	[sflag:s15] =	ssyncset.done $0x0  }
0x67: {  	p0 =	sne.s32 s22, s11;
	[sflag:s15] =	ssyncadd.s32 $0xFFFFD800  }
.Ltmp2:
0x68: {  	[bflag:$0x0] =	sbarrier.arrive $0xFFFF;
	(pc) =	sbr.rel @p0 .LBB2_1-.Ltmp2, $4  }
0x69: {  	[hbm:s10], [sflag:s20] =	dma.local [spmem:s21], $0x2800  }
0x6a: {  	_ =	swait.ge [sflag:s15], $0x2800  }
0x6b: {  	[sflag:s15] =	ssyncset.done $0x0  }
0x6c: {  	[sflag:s15] =	ssyncadd.s32 $0xFFFFD800  }
0x6d: {  	_ =	sfence.sel $0x180000  }
0x6e: {  	[bflag:$0x0] =	sbarrier.arrive $0xFFFF  }
0x6f: {  	p0 =	sne.s32 s0, $0x0;
	_ =	strace $0x90000050  }
0x70: {  	s0 =	sadd.s32 @!p0 $0x100000, s2;
	[bflag:$0x2] =	sbarrier.arrive $0xFFFF  }
0x71: {  	[sflag:s0] =	ssyncadd.tile.s32 @!p0 $0x1;
	_ =	shalt  }
.Lfunc_end2:
_tile_overlayer_lowered:
.L_overlay_start_2:
0x72: {  	(tag) =	ssettag $0x2  }
0x73: {  	s0 =	rddreg [dreg:$0x0];
	s2 =	stileid.u32  }
0x74: {  	s1 =	rddreg [dreg:$0x1];
	p0 =	sne.s32 s2, $0x0  }
0x75: {  	s3 =	rddreg [dreg:$0x2];
	[bflag:$0x3] =	sbarrier.arrive $0xFFFF;
	s2 =	simm.s32 @!p0 $0x1C02  }
0x76: {  	[timem:s3], [sflag:s2] =	dma.local @!p0 [hbm:s0], s1  }
0x77: {  	s0 =	simm.s32 @!p0 $0x2  }
0x78: {  	_ =	swait.ge @!p0 [sflag:s0], s1  }
0x79: {  	s1 =	ssub.s32 @!p0 $0x0, s1;
	[sflag:s0] =	ssyncset.done @!p0 $0x0  }
0x7a: {  	[sflag:s0] =	ssyncadd.s32 @!p0 s1  }
0x7b: {  	[bflag:$0x3] =	sbarrier.arrive $0xFFFF  }
0x7c: {  	_ =	shalt  }

</sc_bundles>
